<compile_context>
chip_gen: v7x
topology: tpu7x:2x2x1
jax: 0.10.2.dev20260603
libtpu: 0.0.44.dev20260713+nightly
codegen_flags: <defaults>
</compile_context>

<pallas_src>
import functools

import jax
import jax.numpy as jnp
from jax import lax
from jax.experimental import pallas as pl
from jax.experimental.pallas import tpu as pltpu
from jax.experimental.pallas import tpu_sc as plsc

N_TOKENS = 100000
N_EMBD = 128

_B0, _B1 = 16384, 50
_C = 128
_NBUF = 5
_LA = 3


def _make_gather():
    info = plsc.get_sparse_core_info()
    nw = info.num_cores * info.num_subcores
    toks_per_w = _B0 // nw
    nsub = toks_per_w // _C
    nchunk = _B1 * nsub
    ngrp = nchunk // _NBUF
    mesh = plsc.VectorSubcoreMesh(core_axis_name="c", subcore_axis_name="s")

    @functools.partial(
        pl.kernel,
        out_type=jax.ShapeDtypeStruct((_B1, _B0, N_EMBD), jnp.float32),
        mesh=mesh,
        scratch_types=(
            [pltpu.VMEM((_B1, toks_per_w), jnp.int32),
             pltpu.VMEM((_NBUF, _C, N_EMBD), jnp.float32)]
            + [pltpu.SemaphoreType.DMA] * (2 * _NBUF)
        ),
    )
    def k(idxt_hbm, table_hbm, out_hbm, idx_v, rows_v, *sems):
        gsem, wsem = sems[:_NBUF], sems[_NBUF:]
        wid = lax.axis_index("s") * info.num_cores + lax.axis_index("c")
        t_base = wid * toks_per_w
        pltpu.sync_copy(idxt_hbm.at[:, pl.ds(t_base, toks_per_w)], idx_v)

        def g_issue(j, b):
            p, s = j // nsub, j % nsub
            pltpu.async_copy(table_hbm.at[idx_v.at[p, pl.ds(s * _C, _C)]],
                             rows_v.at[b], gsem[b])

        def g_wait(j, b):
            p, s = j // nsub, j % nsub
            pltpu.make_async_copy(
                table_hbm.at[idx_v.at[p, pl.ds(s * _C, _C)]],
                rows_v.at[b], gsem[b]).wait()

        def w_issue(j, b):
            p, s = j // nsub, j % nsub
            pltpu.async_copy(rows_v.at[b],
                             out_hbm.at[p, pl.ds(t_base + s * _C, _C)],
                             wsem[b])

        def w_wait(j, b):
            p, s = j // nsub, j % nsub
            pltpu.make_async_copy(
                rows_v.at[b],
                out_hbm.at[p, pl.ds(t_base + s * _C, _C)],
                wsem[b]).wait()

        for b in range(_LA):
            g_issue(b, b)

        for i in range(_NBUF):
            g_wait(i, i)
            w_issue(i, i)
            bb = (i + _LA) % _NBUF
            if i + _LA >= _NBUF:
                w_wait(i + _LA - _NBUF, bb)
            g_issue(i + _LA, bb)

        def body(g, carry):
            for i in range(_NBUF):
                j = _NBUF * g + i
                g_wait(j, i)
                w_issue(j, i)
                bb = (i + _LA) % _NBUF
                w_wait(j + _LA - _NBUF, bb)
                g_issue(j + _LA, bb)
            return carry

        lax.fori_loop(1, ngrp - 1, body, 0)

        j0 = _NBUF * (ngrp - 1)
        for i in range(_NBUF):
            j = j0 + i
            g_wait(j, i)
            w_issue(j, i)
            if j + _LA < nchunk:
                bb = (i + _LA) % _NBUF
                w_wait(j + _LA - _NBUF, bb)
                g_issue(j + _LA, bb)

        for j in range(nchunk - _NBUF, nchunk):
            w_wait(j, j % _NBUF)

    return k


_gather = _make_gather()


def kernel(x, table):
    out = _gather(x.T.astype(jnp.int32), table)
    return out.transpose(1, 0, 2)

# --- scband reference (transcript-rebuilt; emitter-appended) ---
"""Pipeline reference for scband-embeddings-33105607918210 (READ-ONLY COPY).

The authoritative reference and input builder live on the scoring server;
editing this copy changes nothing except your own understanding.
"""

import jax, jax.numpy as jnp
import numpy as np

N_TOKENS = 100000
N_EMBD = 128

def setup_inputs(seed: int = 0) -> dict:
    key = jax.random.key(seed)
    k_idx, k_tab = jax.random.split(key)
    x = jax.random.randint(k_idx, (16384, 50), 0, N_TOKENS, dtype=jnp.int64)
    table = jax.random.normal(k_tab, (N_TOKENS, N_EMBD), dtype=jnp.float32)
    return {"x": x, "table": table}

def reference(x, table):
    # nn.Embedding forward: gather rows of the embedding table
    return jnp.take(table, x, axis=0)

if __name__ == "__main__":
    import jax
    _d = setup_inputs()
    print(jax.jit(kernel)(*tuple(_d.values())))

</pallas_src>

<mosaic_0001>
#map = affine_map<(d0, d1) -> (0, 0)>
#map1 = affine_map<(d0, d1) -> (0, 0, 0)>
module attributes {stable_mosaic.version = 14 : i64} {
  func.func @k(%arg0: i32, %arg1: i32, %arg2: memref<50x16384xi32, #tpu.memory_space<hbm>>, %arg3: memref<100000x128xf32, #tpu.memory_space<hbm>>, %arg4: memref<50x16384x128xf32, #tpu.memory_space<hbm>>, %arg5: memref<50x512xi32, #tpu.memory_space<vmem>>, %arg6: memref<5x128x128xf32, #tpu.memory_space<vmem>>, %arg7: memref<!tpu.dma_semaphore, #tpu.memory_space<semaphore_mem>>, %arg8: memref<!tpu.dma_semaphore, #tpu.memory_space<semaphore_mem>>, %arg9: memref<!tpu.dma_semaphore, #tpu.memory_space<semaphore_mem>>, %arg10: memref<!tpu.dma_semaphore, #tpu.memory_space<semaphore_mem>>, %arg11: memref<!tpu.dma_semaphore, #tpu.memory_space<semaphore_mem>>, %arg12: memref<!tpu.dma_semaphore, #tpu.memory_space<semaphore_mem>>, %arg13: memref<!tpu.dma_semaphore, #tpu.memory_space<semaphore_mem>>, %arg14: memref<!tpu.dma_semaphore, #tpu.memory_space<semaphore_mem>>, %arg15: memref<!tpu.dma_semaphore, #tpu.memory_space<semaphore_mem>>, %arg16: memref<!tpu.dma_semaphore, #tpu.memory_space<semaphore_mem>>) attributes {dimension_semantics = [#tpu.dimension_semantics<core_parallel>, #tpu.dimension_semantics<subcore_parallel>], iteration_bounds = array<i64: 2, 16>, scalar_prefetch = 0 : i64, scratch_operands = 12 : i64, tpu.core_type = #tpu.core_type<sc_vector_subcore>, window_params = [{transform_indices = #map}, {transform_indices = #map}, {transform_indices = #map1}]} {
    %mul3A = arith.constant 2 : i32
    %mul3A_0 = arith.muli %arg1, %mul3A : i32
    %add3A = arith.addi %mul3A_0, %arg0 : i32
    %mul3A_1 = arith.constant 512 : i32
    %mul3A_2 = arith.muli %add3A, %mul3A_1 : i32
    "tpu.region"() ({
      %run_scoped3A = tpu.sem_alloc : memref<!tpu.dma_semaphore, #tpu.memory_space<semaphore_mem>>
      %dma_start3A_606 = arith.constant 0 : i32
      %dma_start3A_607 = tpu.memref_slice %arg2[%dma_start3A_606, %mul3A_2] : memref<50x16384xi32, #tpu.memory_space<hbm>> -> memref<50x512xi32, #tpu.memory_space<hbm>>
      %dma_start3A_608 = arith.constant 0 : i32
      %dma_start3A_609 = tpu.memref_slice %arg2[%dma_start3A_608, %mul3A_2] : memref<50x16384xi32, #tpu.memory_space<hbm>> -> memref<50x512xi32, #tpu.memory_space<hbm>>
      tpu.enqueue_dma source(%dma_start3A_609 : memref<50x512xi32, #tpu.memory_space<hbm>>) target(%arg5 : memref<50x512xi32, #tpu.memory_space<vmem>>) target_semaphore(%run_scoped3A : memref<!tpu.dma_semaphore, #tpu.memory_space<semaphore_mem>>)
      %dma_wait3A_610 = arith.constant 0 : i32
      %dma_wait3A_611 = tpu.memref_slice %arg2[%dma_wait3A_610, %mul3A_2] : memref<50x16384xi32, #tpu.memory_space<hbm>> -> memref<50x512xi32, #tpu.memory_space<hbm>>
      %dma_wait3A_612 = arith.constant 0 : i32
      %dma_wait3A_613 = tpu.memref_slice %arg2[%dma_wait3A_612, %mul3A_2] : memref<50x16384xi32, #tpu.memory_space<hbm>> -> memref<50x512xi32, #tpu.memory_space<hbm>>
      tpu.wait_dma2 semaphore(%run_scoped3A : memref<!tpu.dma_semaphore, #tpu.memory_space<semaphore_mem>>) src(%dma_wait3A_613 : memref<50x512xi32, #tpu.memory_space<hbm>>) dst(%arg5 : memref<50x512xi32, #tpu.memory_space<vmem>>)
      tpu.yield
    }) : () -> ()
    %dma_start3A = arith.constant 0 : i32
    %dma_start3A_3 = arith.constant 0 : i32
    %dma_start3A_4 = arith.constant 0 : i32
    %dma_start3A_5 = arith.constant 0 : i32
    %dma_start3A_6 = tpu.memref_slice %arg6[%dma_start3A_3, %dma_start3A_4, %dma_start3A_5] : memref<5x128x128xf32, #tpu.memory_space<vmem>> -> memref<1x128x128xf32, #tpu.memory_space<vmem>>
    %dma_start3A_7 = tpu.memref_squeeze %dma_start3A_6 : memref<1x128x128xf32, #tpu.memory_space<vmem>> -> memref<128x128xf32, #tpu.memory_space<vmem>>
    %dma_start3A_8 = arith.constant 0 : i32
    %dma_start3A_9 = tpu.memref_slice %arg5[%dma_start3A, %dma_start3A_8] : memref<50x512xi32, #tpu.memory_space<vmem>> -> memref<1x128xi32, #tpu.memory_space<vmem>>
    %dma_start3A_10 = tpu.memref_squeeze %dma_start3A_9 : memref<1x128xi32, #tpu.memory_space<vmem>> -> memref<128xi32, #tpu.memory_space<vmem>>
    %dma_start3A_11 = arith.constant 0 : i32
    %dma_start3A_12 = arith.constant 0 : i32
    %dma_start3A_13 = tpu.memref_slice %arg3[%dma_start3A_11, %dma_start3A_12] : memref<100000x128xf32, #tpu.memory_space<hbm>> -> memref<100000x128xf32, #tpu.memory_space<hbm>>
    tpu.enqueue_indirect_dma source(%dma_start3A_13 : memref<100000x128xf32, #tpu.memory_space<hbm>>) target(%dma_start3A_7 : memref<128x128xf32, #tpu.memory_space<vmem>>) offsets(%dma_start3A_10 : memref<128xi32, #tpu.memory_space<vmem>>) semaphore(%arg7 : memref<!tpu.dma_semaphore, #tpu.memory_space<semaphore_mem>>)
    %dma_start3A_14 = arith.constant 0 : i32
    %dma_start3A_15 = arith.constant 1 : i32
    %dma_start3A_16 = arith.constant 0 : i32
    %dma_start3A_17 = arith.constant 0 : i32
    %dma_start3A_18 = tpu.memref_slice %arg6[%dma_start3A_15, %dma_start3A_16, %dma_start3A_17] : memref<5x128x128xf32, #tpu.memory_space<vmem>> -> memref<1x128x128xf32, #tpu.memory_space<vmem>>
    %dma_start3A_19 = tpu.memref_squeeze %dma_start3A_18 : memref<1x128x128xf32, #tpu.memory_space<vmem>> -> memref<128x128xf32, #tpu.memory_space<vmem>>
    %dma_start3A_20 = arith.constant 128 : i32
    %dma_start3A_21 = tpu.memref_slice %arg5[%dma_start3A_14, %dma_start3A_20] : memref<50x512xi32, #tpu.memory_space<vmem>> -> memref<1x128xi32, #tpu.memory_space<vmem>>
    %dma_start3A_22 = tpu.memref_squeeze %dma_start3A_21 : memref<1x128xi32, #tpu.memory_space<vmem>> -> memref<128xi32, #tpu.memory_space<vmem>>
    %dma_start3A_23 = arith.constant 0 : i32
    %dma_start3A_24 = arith.constant 0 : i32
    %dma_start3A_25 = tpu.memref_slice %arg3[%dma_start3A_23, %dma_start3A_24] : memref<100000x128xf32, #tpu.memory_space<hbm>> -> memref<100000x128xf32, #tpu.memory_space<hbm>>
    tpu.enqueue_indirect_dma source(%dma_start3A_25 : memref<100000x128xf32, #tpu.memory_space<hbm>>) target(%dma_start3A_19 : memref<128x128xf32, #tpu.memory_space<vmem>>) offsets(%dma_start3A_22 : memref<128xi32, #tpu.memory_space<vmem>>) semaphore(%arg8 : memref<!tpu.dma_semaphore, #tpu.memory_space<semaphore_mem>>)
    %dma_start3A_26 = arith.constant 0 : i32
    %dma_start3A_27 = arith.constant 2 : i32
    %dma_start3A_28 = arith.constant 0 : i32
    %dma_start3A_29 = arith.constant 0 : i32
    %dma_start3A_30 = tpu.memref_slice %arg6[%dma_start3A_27, %dma_start3A_28, %dma_start3A_29] : memref<5x128x128xf32, #tpu.memory_space<vmem>> -> memref<1x128x128xf32, #tpu.memory_space<vmem>>
    %dma_start3A_31 = tpu.memref_squeeze %dma_start3A_30 : memref<1x128x128xf32, #tpu.memory_space<vmem>> -> memref<128x128xf32, #tpu.memory_space<vmem>>
    %dma_start3A_32 = arith.constant 256 : i32
    %dma_start3A_33 = tpu.memref_slice %arg5[%dma_start3A_26, %dma_start3A_32] : memref<50x512xi32, #tpu.memory_space<vmem>> -> memref<1x128xi32, #tpu.memory_space<vmem>>
    %dma_start3A_34 = tpu.memref_squeeze %dma_start3A_33 : memref<1x128xi32, #tpu.memory_space<vmem>> -> memref<128xi32, #tpu.memory_space<vmem>>
    %dma_start3A_35 = arith.constant 0 : i32
    %dma_start3A_36 = arith.constant 0 : i32
    %dma_start3A_37 = tpu.memref_slice %arg3[%dma_start3A_35, %dma_start3A_36] : memref<100000x128xf32, #tpu.memory_space<hbm>> -> memref<100000x128xf32, #tpu.memory_space<hbm>>
    tpu.enqueue_indirect_dma source(%dma_start3A_37 : memref<100000x128xf32, #tpu.memory_space<hbm>>) target(%dma_start3A_31 : memref<128x128xf32, #tpu.memory_space<vmem>>) offsets(%dma_start3A_34 : memref<128xi32, #tpu.memory_space<vmem>>) semaphore(%arg9 : memref<!tpu.dma_semaphore, #tpu.memory_space<semaphore_mem>>)
    %dma_wait3A = arith.constant 0 : i32
    %dma_wait3A_38 = arith.constant 0 : i32
    %dma_wait3A_39 = arith.constant 0 : i32
    %dma_wait3A_40 = arith.constant 0 : i32
    %dma_wait3A_41 = tpu.memref_slice %arg6[%dma_wait3A_38, %dma_wait3A_39, %dma_wait3A_40] : memref<5x128x128xf32, #tpu.memory_space<vmem>> -> memref<1x128x128xf32, #tpu.memory_space<vmem>>
    %dma_wait3A_42 = tpu.memref_squeeze %dma_wait3A_41 : memref<1x128x128xf32, #tpu.memory_space<vmem>> -> memref<128x128xf32, #tpu.memory_space<vmem>>
    %dma_wait3A_43 = arith.constant 0 : i32
    %dma_wait3A_44 = tpu.memref_slice %arg5[%dma_wait3A, %dma_wait3A_43] : memref<50x512xi32, #tpu.memory_space<vmem>> -> memref<1x128xi32, #tpu.memory_space<vmem>>
    %dma_wait3A_45 = tpu.memref_squeeze %dma_wait3A_44 : memref<1x128xi32, #tpu.memory_space<vmem>> -> memref<128xi32, #tpu.memory_space<vmem>>
    %dma_wait3A_46 = arith.constant 0 : i32
    %dma_wait3A_47 = arith.constant 0 : i32
    %dma_wait3A_48 = tpu.memref_slice %arg3[%dma_wait3A_46, %dma_wait3A_47] : memref<100000x128xf32, #tpu.memory_space<hbm>> -> memref<100000x128xf32, #tpu.memory_space<hbm>>
    tpu.wait_indirect_dma semaphore(%arg7 : memref<!tpu.dma_semaphore, #tpu.memory_space<semaphore_mem>>) src(%dma_wait3A_48 : memref<100000x128xf32, #tpu.memory_space<hbm>>) dst(%dma_wait3A_42 : memref<128x128xf32, #tpu.memory_space<vmem>>)
    %add3A_49 = arith.constant 0 : i32
    %add3A_50 = arith.addi %mul3A_2, %add3A_49 : i32
    %dma_start3A_51 = arith.constant 0 : i32
    %dma_start3A_52 = arith.constant 0 : i32
    %dma_start3A_53 = arith.constant 0 : i32
    %dma_start3A_54 = arith.constant 0 : i32
    %dma_start3A_55 = tpu.memref_slice %arg6[%dma_start3A_51, %dma_start3A_53, %dma_start3A_54] : memref<5x128x128xf32, #tpu.memory_space<vmem>> -> memref<1x128x128xf32, #tpu.memory_space<vmem>>
    %dma_start3A_56 = tpu.memref_squeeze %dma_start3A_55 : memref<1x128x128xf32, #tpu.memory_space<vmem>> -> memref<128x128xf32, #tpu.memory_space<vmem>>
    %dma_start3A_57 = arith.constant 0 : i32
    %dma_start3A_58 = tpu.memref_slice %arg4[%dma_start3A_52, %add3A_50, %dma_start3A_57] : memref<50x16384x128xf32, #tpu.memory_space<hbm>> -> memref<1x128x128xf32, #tpu.memory_space<hbm>>
    %dma_start3A_59 = tpu.memref_squeeze %dma_start3A_58 : memref<1x128x128xf32, #tpu.memory_space<hbm>> -> memref<128x128xf32, #tpu.memory_space<hbm>>
    %dma_start3A_60 = arith.constant 0 : i32
    %dma_start3A_61 = tpu.memref_slice %arg4[%dma_start3A_52, %add3A_50, %dma_start3A_60] : memref<50x16384x128xf32, #tpu.memory_space<hbm>> -> memref<1x128x128xf32, #tpu.memory_space<hbm>>
    %dma_start3A_62 = tpu.memref_squeeze %dma_start3A_61 : memref<1x128x128xf32, #tpu.memory_space<hbm>> -> memref<128x128xf32, #tpu.memory_space<hbm>>
    %dma_start3A_63 = arith.constant 0 : i32
    %dma_start3A_64 = arith.constant 0 : i32
    %dma_start3A_65 = tpu.memref_slice %arg6[%dma_start3A_51, %dma_start3A_63, %dma_start3A_64] : memref<5x128x128xf32, #tpu.memory_space<vmem>> -> memref<1x128x128xf32, #tpu.memory_space<vmem>>
    %dma_start3A_66 = tpu.memref_squeeze %dma_start3A_65 : memref<1x128x128xf32, #tpu.memory_space<vmem>> -> memref<128x128xf32, #tpu.memory_space<vmem>>
    tpu.enqueue_dma source(%dma_start3A_66 : memref<128x128xf32, #tpu.memory_space<vmem>>) target(%dma_start3A_62 : memref<128x128xf32, #tpu.memory_space<hbm>>) target_semaphore(%arg12 : memref<!tpu.dma_semaphore, #tpu.memory_space<semaphore_mem>>)
    %dma_start3A_67 = arith.constant 0 : i32
    %dma_start3A_68 = arith.constant 3 : i32
    %dma_start3A_69 = arith.constant 0 : i32
    %dma_start3A_70 = arith.constant 0 : i32
    %dma_start3A_71 = tpu.memref_slice %arg6[%dma_start3A_68, %dma_start3A_69, %dma_start3A_70] : memref<5x128x128xf32, #tpu.memory_space<vmem>> -> memref<1x128x128xf32, #tpu.memory_space<vmem>>
    %dma_start3A_72 = tpu.memref_squeeze %dma_start3A_71 : memref<1x128x128xf32, #tpu.memory_space<vmem>> -> memref<128x128xf32, #tpu.memory_space<vmem>>
    %dma_start3A_73 = arith.constant 384 : i32
    %dma_start3A_74 = tpu.memref_slice %arg5[%dma_start3A_67, %dma_start3A_73] : memref<50x512xi32, #tpu.memory_space<vmem>> -> memref<1x128xi32, #tpu.memory_space<vmem>>
    %dma_start3A_75 = tpu.memref_squeeze %dma_start3A_74 : memref<1x128xi32, #tpu.memory_space<vmem>> -> memref<128xi32, #tpu.memory_space<vmem>>
    %dma_start3A_76 = arith.constant 0 : i32
    %dma_start3A_77 = arith.constant 0 : i32
    %dma_start3A_78 = tpu.memref_slice %arg3[%dma_start3A_76, %dma_start3A_77] : memref<100000x128xf32, #tpu.memory_space<hbm>> -> memref<100000x128xf32, #tpu.memory_space<hbm>>
    tpu.enqueue_indirect_dma source(%dma_start3A_78 : memref<100000x128xf32, #tpu.memory_space<hbm>>) target(%dma_start3A_72 : memref<128x128xf32, #tpu.memory_space<vmem>>) offsets(%dma_start3A_75 : memref<128xi32, #tpu.memory_space<vmem>>) semaphore(%arg10 : memref<!tpu.dma_semaphore, #tpu.memory_space<semaphore_mem>>)
    %dma_wait3A_79 = arith.constant 0 : i32
    %dma_wait3A_80 = arith.constant 1 : i32
    %dma_wait3A_81 = arith.constant 0 : i32
    %dma_wait3A_82 = arith.constant 0 : i32
    %dma_wait3A_83 = tpu.memref_slice %arg6[%dma_wait3A_80, %dma_wait3A_81, %dma_wait3A_82] : memref<5x128x128xf32, #tpu.memory_space<vmem>> -> memref<1x128x128xf32, #tpu.memory_space<vmem>>
    %dma_wait3A_84 = tpu.memref_squeeze %dma_wait3A_83 : memref<1x128x128xf32, #tpu.memory_space<vmem>> -> memref<128x128xf32, #tpu.memory_space<vmem>>
    %dma_wait3A_85 = arith.constant 128 : i32
    %dma_wait3A_86 = tpu.memref_slice %arg5[%dma_wait3A_79, %dma_wait3A_85] : memref<50x512xi32, #tpu.memory_space<vmem>> -> memref<1x128xi32, #tpu.memory_space<vmem>>
    %dma_wait3A_87 = tpu.memref_squeeze %dma_wait3A_86 : memref<1x128xi32, #tpu.memory_space<vmem>> -> memref<128xi32, #tpu.memory_space<vmem>>
    %dma_wait3A_88 = arith.constant 0 : i32
    %dma_wait3A_89 = arith.constant 0 : i32
    %dma_wait3A_90 = tpu.memref_slice %arg3[%dma_wait3A_88, %dma_wait3A_89] : memref<100000x128xf32, #tpu.memory_space<hbm>> -> memref<100000x128xf32, #tpu.memory_space<hbm>>
    tpu.wait_indirect_dma semaphore(%arg8 : memref<!tpu.dma_semaphore, #tpu.memory_space<semaphore_mem>>) src(%dma_wait3A_90 : memref<100000x128xf32, #tpu.memory_space<hbm>>) dst(%dma_wait3A_84 : memref<128x128xf32, #tpu.memory_space<vmem>>)
    %add3A_91 = arith.constant 128 : i32
    %add3A_92 = arith.addi %mul3A_2, %add3A_91 : i32
    %dma_start3A_93 = arith.constant 1 : i32
    %dma_start3A_94 = arith.constant 0 : i32
    %dma_start3A_95 = arith.constant 0 : i32
    %dma_start3A_96 = arith.constant 0 : i32
    %dma_start3A_97 = tpu.memref_slice %arg6[%dma_start3A_93, %dma_start3A_95, %dma_start3A_96] : memref<5x128x128xf32, #tpu.memory_space<vmem>> -> memref<1x128x128xf32, #tpu.memory_space<vmem>>
    %dma_start3A_98 = tpu.memref_squeeze %dma_start3A_97 : memref<1x128x128xf32, #tpu.memory_space<vmem>> -> memref<128x128xf32, #tpu.memory_space<vmem>>
    %dma_start3A_99 = arith.constant 0 : i32
    %dma_start3A_100 = tpu.memref_slice %arg4[%dma_start3A_94, %add3A_92, %dma_start3A_99] : memref<50x16384x128xf32, #tpu.memory_space<hbm>> -> memref<1x128x128xf32, #tpu.memory_space<hbm>>
    %dma_start3A_101 = tpu.memref_squeeze %dma_start3A_100 : memref<1x128x128xf32, #tpu.memory_space<hbm>> -> memref<128x128xf32, #tpu.memory_space<hbm>>
    %dma_start3A_102 = arith.constant 0 : i32
    %dma_start3A_103 = tpu.memref_slice %arg4[%dma_start3A_94, %add3A_92, %dma_start3A_102] : memref<50x16384x128xf32, #tpu.memory_space<hbm>> -> memref<1x128x128xf32, #tpu.memory_space<hbm>>
    %dma_start3A_104 = tpu.memref_squeeze %dma_start3A_103 : memref<1x128x128xf32, #tpu.memory_space<hbm>> -> memref<128x128xf32, #tpu.memory_space<hbm>>
    %dma_start3A_105 = arith.constant 0 : i32
    %dma_start3A_106 = arith.constant 0 : i32
    %dma_start3A_107 = tpu.memref_slice %arg6[%dma_start3A_93, %dma_start3A_105, %dma_start3A_106] : memref<5x128x128xf32, #tpu.memory_space<vmem>> -> memref<1x128x128xf32, #tpu.memory_space<vmem>>
    %dma_start3A_108 = tpu.memref_squeeze %dma_start3A_107 : memref<1x128x128xf32, #tpu.memory_space<vmem>> -> memref<128x128xf32, #tpu.memory_space<vmem>>
    tpu.enqueue_dma source(%dma_start3A_108 : memref<128x128xf32, #tpu.memory_space<vmem>>) target(%dma_start3A_104 : memref<128x128xf32, #tpu.memory_space<hbm>>) target_semaphore(%arg13 : memref<!tpu.dma_semaphore, #tpu.memory_space<semaphore_mem>>)
    %dma_start3A_109 = arith.constant 1 : i32
    %dma_start3A_110 = arith.constant 4 : i32
    %dma_start3A_111 = arith.constant 0 : i32
    %dma_start3A_112 = arith.constant 0 : i32
    %dma_start3A_113 = tpu.memref_slice %arg6[%dma_start3A_110, %dma_start3A_111, %dma_start3A_112] : memref<5x128x128xf32, #tpu.memory_space<vmem>> -> memref<1x128x128xf32, #tpu.memory_space<vmem>>
    %dma_start3A_114 = tpu.memref_squeeze %dma_start3A_113 : memref<1x128x128xf32, #tpu.memory_space<vmem>> -> memref<128x128xf32, #tpu.memory_space<vmem>>
    %dma_start3A_115 = arith.constant 0 : i32
    %dma_start3A_116 = tpu.memref_slice %arg5[%dma_start3A_109, %dma_start3A_115] : memref<50x512xi32, #tpu.memory_space<vmem>> -> memref<1x128xi32, #tpu.memory_space<vmem>>
    %dma_start3A_117 = tpu.memref_squeeze %dma_start3A_116 : memref<1x128xi32, #tpu.memory_space<vmem>> -> memref<128xi32, #tpu.memory_space<vmem>>
    %dma_start3A_118 = arith.constant 0 : i32
    %dma_start3A_119 = arith.constant 0 : i32
    %dma_start3A_120 = tpu.memref_slice %arg3[%dma_start3A_118, %dma_start3A_119] : memref<100000x128xf32, #tpu.memory_space<hbm>> -> memref<100000x128xf32, #tpu.memory_space<hbm>>
    tpu.enqueue_indirect_dma source(%dma_start3A_120 : memref<100000x128xf32, #tpu.memory_space<hbm>>) target(%dma_start3A_114 : memref<128x128xf32, #tpu.memory_space<vmem>>) offsets(%dma_start3A_117 : memref<128xi32, #tpu.memory_space<vmem>>) semaphore(%arg11 : memref<!tpu.dma_semaphore, #tpu.memory_space<semaphore_mem>>)
    %dma_wait3A_121 = arith.constant 0 : i32
    %dma_wait3A_122 = arith.constant 2 : i32
    %dma_wait3A_123 = arith.constant 0 : i32
    %dma_wait3A_124 = arith.constant 0 : i32
    %dma_wait3A_125 = tpu.memref_slice %arg6[%dma_wait3A_122, %dma_wait3A_123, %dma_wait3A_124] : memref<5x128x128xf32, #tpu.memory_space<vmem>> -> memref<1x128x128xf32, #tpu.memory_space<vmem>>
    %dma_wait3A_126 = tpu.memref_squeeze %dma_wait3A_125 : memref<1x128x128xf32, #tpu.memory_space<vmem>> -> memref<128x128xf32, #tpu.memory_space<vmem>>
    %dma_wait3A_127 = arith.constant 256 : i32
    %dma_wait3A_128 = tpu.memref_slice %arg5[%dma_wait3A_121, %dma_wait3A_127] : memref<50x512xi32, #tpu.memory_space<vmem>> -> memref<1x128xi32, #tpu.memory_space<vmem>>
    %dma_wait3A_129 = tpu.memref_squeeze %dma_wait3A_128 : memref<1x128xi32, #tpu.memory_space<vmem>> -> memref<128xi32, #tpu.memory_space<vmem>>
    %dma_wait3A_130 = arith.constant 0 : i32
    %dma_wait3A_131 = arith.constant 0 : i32
    %dma_wait3A_132 = tpu.memref_slice %arg3[%dma_wait3A_130, %dma_wait3A_131] : memref<100000x128xf32, #tpu.memory_space<hbm>> -> memref<100000x128xf32, #tpu.memory_space<hbm>>
    tpu.wait_indirect_dma semaphore(%arg9 : memref<!tpu.dma_semaphore, #tpu.memory_space<semaphore_mem>>) src(%dma_wait3A_132 : memref<100000x128xf32, #tpu.memory_space<hbm>>) dst(%dma_wait3A_126 : memref<128x128xf32, #tpu.memory_space<vmem>>)
    %add3A_133 = arith.constant 256 : i32
    %add3A_134 = arith.addi %mul3A_2, %add3A_133 : i32
    %dma_start3A_135 = arith.constant 2 : i32
    %dma_start3A_136 = arith.constant 0 : i32
    %dma_start3A_137 = arith.constant 0 : i32
    %dma_start3A_138 = arith.constant 0 : i32
    %dma_start3A_139 = tpu.memref_slice %arg6[%dma_start3A_135, %dma_start3A_137, %dma_start3A_138] : memref<5x128x128xf32, #tpu.memory_space<vmem>> -> memref<1x128x128xf32, #tpu.memory_space<vmem>>
    %dma_start3A_140 = tpu.memref_squeeze %dma_start3A_139 : memref<1x128x128xf32, #tpu.memory_space<vmem>> -> memref<128x128xf32, #tpu.memory_space<vmem>>
    %dma_start3A_141 = arith.constant 0 : i32
    %dma_start3A_142 = tpu.memref_slice %arg4[%dma_start3A_136, %add3A_134, %dma_start3A_141] : memref<50x16384x128xf32, #tpu.memory_space<hbm>> -> memref<1x128x128xf32, #tpu.memory_space<hbm>>
    %dma_start3A_143 = tpu.memref_squeeze %dma_start3A_142 : memref<1x128x128xf32, #tpu.memory_space<hbm>> -> memref<128x128xf32, #tpu.memory_space<hbm>>
    %dma_start3A_144 = arith.constant 0 : i32
    %dma_start3A_145 = tpu.memref_slice %arg4[%dma_start3A_136, %add3A_134, %dma_start3A_144] : memref<50x16384x128xf32, #tpu.memory_space<hbm>> -> memref<1x128x128xf32, #tpu.memory_space<hbm>>
    %dma_start3A_146 = tpu.memref_squeeze %dma_start3A_145 : memref<1x128x128xf32, #tpu.memory_space<hbm>> -> memref<128x128xf32, #tpu.memory_space<hbm>>
    %dma_start3A_147 = arith.constant 0 : i32
    %dma_start3A_148 = arith.constant 0 : i32
    %dma_start3A_149 = tpu.memref_slice %arg6[%dma_start3A_135, %dma_start3A_147, %dma_start3A_148] : memref<5x128x128xf32, #tpu.memory_space<vmem>> -> memref<1x128x128xf32, #tpu.memory_space<vmem>>
    %dma_start3A_150 = tpu.memref_squeeze %dma_start3A_149 : memref<1x128x128xf32, #tpu.memory_space<vmem>> -> memref<128x128xf32, #tpu.memory_space<vmem>>
    tpu.enqueue_dma source(%dma_start3A_150 : memref<128x128xf32, #tpu.memory_space<vmem>>) target(%dma_start3A_146 : memref<128x128xf32, #tpu.memory_space<hbm>>) target_semaphore(%arg14 : memref<!tpu.dma_semaphore, #tpu.memory_space<semaphore_mem>>)
    %add3A_151 = arith.constant 0 : i32
    %add3A_152 = arith.addi %mul3A_2, %add3A_151 : i32
    %dma_wait3A_153 = arith.constant 0 : i32
    %dma_wait3A_154 = arith.constant 0 : i32
    %dma_wait3A_155 = arith.constant 0 : i32
    %dma_wait3A_156 = arith.constant 0 : i32
    %dma_wait3A_157 = tpu.memref_slice %arg6[%dma_wait3A_153, %dma_wait3A_155, %dma_wait3A_156] : memref<5x128x128xf32, #tpu.memory_space<vmem>> -> memref<1x128x128xf32, #tpu.memory_space<vmem>>
    %dma_wait3A_158 = tpu.memref_squeeze %dma_wait3A_157 : memref<1x128x128xf32, #tpu.memory_space<vmem>> -> memref<128x128xf32, #tpu.memory_space<vmem>>
    %dma_wait3A_159 = arith.constant 0 : i32
    %dma_wait3A_160 = tpu.memref_slice %arg4[%dma_wait3A_154, %add3A_152, %dma_wait3A_159] : memref<50x16384x128xf32, #tpu.memory_space<hbm>> -> memref<1x128x128xf32, #tpu.memory_space<hbm>>
    %dma_wait3A_161 = tpu.memref_squeeze %dma_wait3A_160 : memref<1x128x128xf32, #tpu.memory_space<hbm>> -> memref<128x128xf32, #tpu.memory_space<hbm>>
    %dma_wait3A_162 = arith.constant 0 : i32
    %dma_wait3A_163 = tpu.memref_slice %arg4[%dma_wait3A_154, %add3A_152, %dma_wait3A_162] : memref<50x16384x128xf32, #tpu.memory_space<hbm>> -> memref<1x128x128xf32, #tpu.memory_space<hbm>>
    %dma_wait3A_164 = tpu.memref_squeeze %dma_wait3A_163 : memref<1x128x128xf32, #tpu.memory_space<hbm>> -> memref<128x128xf32, #tpu.memory_space<hbm>>
    %dma_wait3A_165 = arith.constant 0 : i32
    %dma_wait3A_166 = arith.constant 0 : i32
    %dma_wait3A_167 = tpu.memref_slice %arg6[%dma_wait3A_153, %dma_wait3A_165, %dma_wait3A_166] : memref<5x128x128xf32, #tpu.memory_space<vmem>> -> memref<1x128x128xf32, #tpu.memory_space<vmem>>
    %dma_wait3A_168 = tpu.memref_squeeze %dma_wait3A_167 : memref<1x128x128xf32, #tpu.memory_space<vmem>> -> memref<128x128xf32, #tpu.memory_space<vmem>>
    tpu.wait_dma2 semaphore(%arg12 : memref<!tpu.dma_semaphore, #tpu.memory_space<semaphore_mem>>) src(%dma_wait3A_168 : memref<128x128xf32, #tpu.memory_space<vmem>>) dst(%dma_wait3A_164 : memref<128x128xf32, #tpu.memory_space<hbm>>)
    %dma_start3A_169 = arith.constant 1 : i32
    %dma_start3A_170 = arith.constant 0 : i32
    %dma_start3A_171 = arith.constant 0 : i32
    %dma_start3A_172 = arith.constant 0 : i32
    %dma_start3A_173 = tpu.memref_slice %arg6[%dma_start3A_170, %dma_start3A_171, %dma_start3A_172] : memref<5x128x128xf32, #tpu.memory_space<vmem>> -> memref<1x128x128xf32, #tpu.memory_space<vmem>>
    %dma_start3A_174 = tpu.memref_squeeze %dma_start3A_173 : memref<1x128x128xf32, #tpu.memory_space<vmem>> -> memref<128x128xf32, #tpu.memory_space<vmem>>
    %dma_start3A_175 = arith.constant 128 : i32
    %dma_start3A_176 = tpu.memref_slice %arg5[%dma_start3A_169, %dma_start3A_175] : memref<50x512xi32, #tpu.memory_space<vmem>> -> memref<1x128xi32, #tpu.memory_space<vmem>>
    %dma_start3A_177 = tpu.memref_squeeze %dma_start3A_176 : memref<1x128xi32, #tpu.memory_space<vmem>> -> memref<128xi32, #tpu.memory_space<vmem>>
    %dma_start3A_178 = arith.constant 0 : i32
    %dma_start3A_179 = arith.constant 0 : i32
    %dma_start3A_180 = tpu.memref_slice %arg3[%dma_start3A_178, %dma_start3A_179] : memref<100000x128xf32, #tpu.memory_space<hbm>> -> memref<100000x128xf32, #tpu.memory_space<hbm>>
    tpu.enqueue_indirect_dma source(%dma_start3A_180 : memref<100000x128xf32, #tpu.memory_space<hbm>>) target(%dma_start3A_174 : memref<128x128xf32, #tpu.memory_space<vmem>>) offsets(%dma_start3A_177 : memref<128xi32, #tpu.memory_space<vmem>>) semaphore(%arg7 : memref<!tpu.dma_semaphore, #tpu.memory_space<semaphore_mem>>)
    %dma_wait3A_181 = arith.constant 0 : i32
    %dma_wait3A_182 = arith.constant 3 : i32
    %dma_wait3A_183 = arith.constant 0 : i32
    %dma_wait3A_184 = arith.constant 0 : i32
    %dma_wait3A_185 = tpu.memref_slice %arg6[%dma_wait3A_182, %dma_wait3A_183, %dma_wait3A_184] : memref<5x128x128xf32, #tpu.memory_space<vmem>> -> memref<1x128x128xf32, #tpu.memory_space<vmem>>
    %dma_wait3A_186 = tpu.memref_squeeze %dma_wait3A_185 : memref<1x128x128xf32, #tpu.memory_space<vmem>> -> memref<128x128xf32, #tpu.memory_space<vmem>>
    %dma_wait3A_187 = arith.constant 384 : i32
    %dma_wait3A_188 = tpu.memref_slice %arg5[%dma_wait3A_181, %dma_wait3A_187] : memref<50x512xi32, #tpu.memory_space<vmem>> -> memref<1x128xi32, #tpu.memory_space<vmem>>
    %dma_wait3A_189 = tpu.memref_squeeze %dma_wait3A_188 : memref<1x128xi32, #tpu.memory_space<vmem>> -> memref<128xi32, #tpu.memory_space<vmem>>
    %dma_wait3A_190 = arith.constant 0 : i32
    %dma_wait3A_191 = arith.constant 0 : i32
    %dma_wait3A_192 = tpu.memref_slice %arg3[%dma_wait3A_190, %dma_wait3A_191] : memref<100000x128xf32, #tpu.memory_space<hbm>> -> memref<100000x128xf32, #tpu.memory_space<hbm>>
    tpu.wait_indirect_dma semaphore(%arg10 : memref<!tpu.dma_semaphore, #tpu.memory_space<semaphore_mem>>) src(%dma_wait3A_192 : memref<100000x128xf32, #tpu.memory_space<hbm>>) dst(%dma_wait3A_186 : memref<128x128xf32, #tpu.memory_space<vmem>>)
    %add3A_193 = arith.constant 384 : i32
    %add3A_194 = arith.addi %mul3A_2, %add3A_193 : i32
    %dma_start3A_195 = arith.constant 3 : i32
    %dma_start3A_196 = arith.constant 0 : i32
    %dma_start3A_197 = arith.constant 0 : i32
    %dma_start3A_198 = arith.constant 0 : i32
    %dma_start3A_199 = tpu.memref_slice %arg6[%dma_start3A_195, %dma_start3A_197, %dma_start3A_198] : memref<5x128x128xf32, #tpu.memory_space<vmem>> -> memref<1x128x128xf32, #tpu.memory_space<vmem>>
    %dma_start3A_200 = tpu.memref_squeeze %dma_start3A_199 : memref<1x128x128xf32, #tpu.memory_space<vmem>> -> memref<128x128xf32, #tpu.memory_space<vmem>>
    %dma_start3A_201 = arith.constant 0 : i32
    %dma_start3A_202 = tpu.memref_slice %arg4[%dma_start3A_196, %add3A_194, %dma_start3A_201] : memref<50x16384x128xf32, #tpu.memory_space<hbm>> -> memref<1x128x128xf32, #tpu.memory_space<hbm>>
    %dma_start3A_203 = tpu.memref_squeeze %dma_start3A_202 : memref<1x128x128xf32, #tpu.memory_space<hbm>> -> memref<128x128xf32, #tpu.memory_space<hbm>>
    %dma_start3A_204 = arith.constant 0 : i32
    %dma_start3A_205 = tpu.memref_slice %arg4[%dma_start3A_196, %add3A_194, %dma_start3A_204] : memref<50x16384x128xf32, #tpu.memory_space<hbm>> -> memref<1x128x128xf32, #tpu.memory_space<hbm>>
    %dma_start3A_206 = tpu.memref_squeeze %dma_start3A_205 : memref<1x128x128xf32, #tpu.memory_space<hbm>> -> memref<128x128xf32, #tpu.memory_space<hbm>>
    %dma_start3A_207 = arith.constant 0 : i32
    %dma_start3A_208 = arith.constant 0 : i32
    %dma_start3A_209 = tpu.memref_slice %arg6[%dma_start3A_195, %dma_start3A_207, %dma_start3A_208] : memref<5x128x128xf32, #tpu.memory_space<vmem>> -> memref<1x128x128xf32, #tpu.memory_space<vmem>>
    %dma_start3A_210 = tpu.memref_squeeze %dma_start3A_209 : memref<1x128x128xf32, #tpu.memory_space<vmem>> -> memref<128x128xf32, #tpu.memory_space<vmem>>
    tpu.enqueue_dma source(%dma_start3A_210 : memref<128x128xf32, #tpu.memory_space<vmem>>) target(%dma_start3A_206 : memref<128x128xf32, #tpu.memory_space<hbm>>) target_semaphore(%arg15 : memref<!tpu.dma_semaphore, #tpu.memory_space<semaphore_mem>>)
    %add3A_211 = arith.constant 128 : i32
    %add3A_212 = arith.addi %mul3A_2, %add3A_211 : i32
    %dma_wait3A_213 = arith.constant 1 : i32
    %dma_wait3A_214 = arith.constant 0 : i32
    %dma_wait3A_215 = arith.constant 0 : i32
    %dma_wait3A_216 = arith.constant 0 : i32
    %dma_wait3A_217 = tpu.memref_slice %arg6[%dma_wait3A_213, %dma_wait3A_215, %dma_wait3A_216] : memref<5x128x128xf32, #tpu.memory_space<vmem>> -> memref<1x128x128xf32, #tpu.memory_space<vmem>>
    %dma_wait3A_218 = tpu.memref_squeeze %dma_wait3A_217 : memref<1x128x128xf32, #tpu.memory_space<vmem>> -> memref<128x128xf32, #tpu.memory_space<vmem>>
    %dma_wait3A_219 = arith.constant 0 : i32
    %dma_wait3A_220 = tpu.memref_slice %arg4[%dma_wait3A_214, %add3A_212, %dma_wait3A_219] : memref<50x16384x128xf32, #tpu.memory_space<hbm>> -> memref<1x128x128xf32, #tpu.memory_space<hbm>>
    %dma_wait3A_221 = tpu.memref_squeeze %dma_wait3A_220 : memref<1x128x128xf32, #tpu.memory_space<hbm>> -> memref<128x128xf32, #tpu.memory_space<hbm>>
    %dma_wait3A_222 = arith.constant 0 : i32
    %dma_wait3A_223 = tpu.memref_slice %arg4[%dma_wait3A_214, %add3A_212, %dma_wait3A_222] : memref<50x16384x128xf32, #tpu.memory_space<hbm>> -> memref<1x128x128xf32, #tpu.memory_space<hbm>>
    %dma_wait3A_224 = tpu.memref_squeeze %dma_wait3A_223 : memref<1x128x128xf32, #tpu.memory_space<hbm>> -> memref<128x128xf32, #tpu.memory_space<hbm>>
    %dma_wait3A_225 = arith.constant 0 : i32
    %dma_wait3A_226 = arith.constant 0 : i32
    %dma_wait3A_227 = tpu.memref_slice %arg6[%dma_wait3A_213, %dma_wait3A_225, %dma_wait3A_226] : memref<5x128x128xf32, #tpu.memory_space<vmem>> -> memref<1x128x128xf32, #tpu.memory_space<vmem>>
    %dma_wait3A_228 = tpu.memref_squeeze %dma_wait3A_227 : memref<1x128x128xf32, #tpu.memory_space<vmem>> -> memref<128x128xf32, #tpu.memory_space<vmem>>
    tpu.wait_dma2 semaphore(%arg13 : memref<!tpu.dma_semaphore, #tpu.memory_space<semaphore_mem>>) src(%dma_wait3A_228 : memref<128x128xf32, #tpu.memory_space<vmem>>) dst(%dma_wait3A_224 : memref<128x128xf32, #tpu.memory_space<hbm>>)
    %dma_start3A_229 = arith.constant 1 : i32
    %dma_start3A_230 = arith.constant 1 : i32
    %dma_start3A_231 = arith.constant 0 : i32
    %dma_start3A_232 = arith.constant 0 : i32
    %dma_start3A_233 = tpu.memref_slice %arg6[%dma_start3A_230, %dma_start3A_231, %dma_start3A_232] : memref<5x128x128xf32, #tpu.memory_space<vmem>> -> memref<1x128x128xf32, #tpu.memory_space<vmem>>
    %dma_start3A_234 = tpu.memref_squeeze %dma_start3A_233 : memref<1x128x128xf32, #tpu.memory_space<vmem>> -> memref<128x128xf32, #tpu.memory_space<vmem>>
    %dma_start3A_235 = arith.constant 256 : i32
    %dma_start3A_236 = tpu.memref_slice %arg5[%dma_start3A_229, %dma_start3A_235] : memref<50x512xi32, #tpu.memory_space<vmem>> -> memref<1x128xi32, #tpu.memory_space<vmem>>
    %dma_start3A_237 = tpu.memref_squeeze %dma_start3A_236 : memref<1x128xi32, #tpu.memory_space<vmem>> -> memref<128xi32, #tpu.memory_space<vmem>>
    %dma_start3A_238 = arith.constant 0 : i32
    %dma_start3A_239 = arith.constant 0 : i32
    %dma_start3A_240 = tpu.memref_slice %arg3[%dma_start3A_238, %dma_start3A_239] : memref<100000x128xf32, #tpu.memory_space<hbm>> -> memref<100000x128xf32, #tpu.memory_space<hbm>>
    tpu.enqueue_indirect_dma source(%dma_start3A_240 : memref<100000x128xf32, #tpu.memory_space<hbm>>) target(%dma_start3A_234 : memref<128x128xf32, #tpu.memory_space<vmem>>) offsets(%dma_start3A_237 : memref<128xi32, #tpu.memory_space<vmem>>) semaphore(%arg8 : memref<!tpu.dma_semaphore, #tpu.memory_space<semaphore_mem>>)
    %dma_wait3A_241 = arith.constant 1 : i32
    %dma_wait3A_242 = arith.constant 4 : i32
    %dma_wait3A_243 = arith.constant 0 : i32
    %dma_wait3A_244 = arith.constant 0 : i32
    %dma_wait3A_245 = tpu.memref_slice %arg6[%dma_wait3A_242, %dma_wait3A_243, %dma_wait3A_244] : memref<5x128x128xf32, #tpu.memory_space<vmem>> -> memref<1x128x128xf32, #tpu.memory_space<vmem>>
    %dma_wait3A_246 = tpu.memref_squeeze %dma_wait3A_245 : memref<1x128x128xf32, #tpu.memory_space<vmem>> -> memref<128x128xf32, #tpu.memory_space<vmem>>
    %dma_wait3A_247 = arith.constant 0 : i32
    %dma_wait3A_248 = tpu.memref_slice %arg5[%dma_wait3A_241, %dma_wait3A_247] : memref<50x512xi32, #tpu.memory_space<vmem>> -> memref<1x128xi32, #tpu.memory_space<vmem>>
    %dma_wait3A_249 = tpu.memref_squeeze %dma_wait3A_248 : memref<1x128xi32, #tpu.memory_space<vmem>> -> memref<128xi32, #tpu.memory_space<vmem>>
    %dma_wait3A_250 = arith.constant 0 : i32
    %dma_wait3A_251 = arith.constant 0 : i32
    %dma_wait3A_252 = tpu.memref_slice %arg3[%dma_wait3A_250, %dma_wait3A_251] : memref<100000x128xf32, #tpu.memory_space<hbm>> -> memref<100000x128xf32, #tpu.memory_space<hbm>>
    tpu.wait_indirect_dma semaphore(%arg11 : memref<!tpu.dma_semaphore, #tpu.memory_space<semaphore_mem>>) src(%dma_wait3A_252 : memref<100000x128xf32, #tpu.memory_space<hbm>>) dst(%dma_wait3A_246 : memref<128x128xf32, #tpu.memory_space<vmem>>)
    %add3A_253 = arith.constant 0 : i32
    %add3A_254 = arith.addi %mul3A_2, %add3A_253 : i32
    %dma_start3A_255 = arith.constant 4 : i32
    %dma_start3A_256 = arith.constant 1 : i32
    %dma_start3A_257 = arith.constant 0 : i32
    %dma_start3A_258 = arith.constant 0 : i32
    %dma_start3A_259 = tpu.memref_slice %arg6[%dma_start3A_255, %dma_start3A_257, %dma_start3A_258] : memref<5x128x128xf32, #tpu.memory_space<vmem>> -> memref<1x128x128xf32, #tpu.memory_space<vmem>>
    %dma_start3A_260 = tpu.memref_squeeze %dma_start3A_259 : memref<1x128x128xf32, #tpu.memory_space<vmem>> -> memref<128x128xf32, #tpu.memory_space<vmem>>
    %dma_start3A_261 = arith.constant 0 : i32
    %dma_start3A_262 = tpu.memref_slice %arg4[%dma_start3A_256, %add3A_254, %dma_start3A_261] : memref<50x16384x128xf32, #tpu.memory_space<hbm>> -> memref<1x128x128xf32, #tpu.memory_space<hbm>>
    %dma_start3A_263 = tpu.memref_squeeze %dma_start3A_262 : memref<1x128x128xf32, #tpu.memory_space<hbm>> -> memref<128x128xf32, #tpu.memory_space<hbm>>
    %dma_start3A_264 = arith.constant 0 : i32
    %dma_start3A_265 = tpu.memref_slice %arg4[%dma_start3A_256, %add3A_254, %dma_start3A_264] : memref<50x16384x128xf32, #tpu.memory_space<hbm>> -> memref<1x128x128xf32, #tpu.memory_space<hbm>>
    %dma_start3A_266 = tpu.memref_squeeze %dma_start3A_265 : memref<1x128x128xf32, #tpu.memory_space<hbm>> -> memref<128x128xf32, #tpu.memory_space<hbm>>
    %dma_start3A_267 = arith.constant 0 : i32
    %dma_start3A_268 = arith.constant 0 : i32
    %dma_start3A_269 = tpu.memref_slice %arg6[%dma_start3A_255, %dma_start3A_267, %dma_start3A_268] : memref<5x128x128xf32, #tpu.memory_space<vmem>> -> memref<1x128x128xf32, #tpu.memory_space<vmem>>
    %dma_start3A_270 = tpu.memref_squeeze %dma_start3A_269 : memref<1x128x128xf32, #tpu.memory_space<vmem>> -> memref<128x128xf32, #tpu.memory_space<vmem>>
    tpu.enqueue_dma source(%dma_start3A_270 : memref<128x128xf32, #tpu.memory_space<vmem>>) target(%dma_start3A_266 : memref<128x128xf32, #tpu.memory_space<hbm>>) target_semaphore(%arg16 : memref<!tpu.dma_semaphore, #tpu.memory_space<semaphore_mem>>)
    %add3A_271 = arith.constant 256 : i32
    %add3A_272 = arith.addi %mul3A_2, %add3A_271 : i32
    %dma_wait3A_273 = arith.constant 2 : i32
    %dma_wait3A_274 = arith.constant 0 : i32
    %dma_wait3A_275 = arith.constant 0 : i32
    %dma_wait3A_276 = arith.constant 0 : i32
    %dma_wait3A_277 = tpu.memref_slice %arg6[%dma_wait3A_273, %dma_wait3A_275, %dma_wait3A_276] : memref<5x128x128xf32, #tpu.memory_space<vmem>> -> memref<1x128x128xf32, #tpu.memory_space<vmem>>
    %dma_wait3A_278 = tpu.memref_squeeze %dma_wait3A_277 : memref<1x128x128xf32, #tpu.memory_space<vmem>> -> memref<128x128xf32, #tpu.memory_space<vmem>>
    %dma_wait3A_279 = arith.constant 0 : i32
    %dma_wait3A_280 = tpu.memref_slice %arg4[%dma_wait3A_274, %add3A_272, %dma_wait3A_279] : memref<50x16384x128xf32, #tpu.memory_space<hbm>> -> memref<1x128x128xf32, #tpu.memory_space<hbm>>
    %dma_wait3A_281 = tpu.memref_squeeze %dma_wait3A_280 : memref<1x128x128xf32, #tpu.memory_space<hbm>> -> memref<128x128xf32, #tpu.memory_space<hbm>>
    %dma_wait3A_282 = arith.constant 0 : i32
    %dma_wait3A_283 = tpu.memref_slice %arg4[%dma_wait3A_274, %add3A_272, %dma_wait3A_282] : memref<50x16384x128xf32, #tpu.memory_space<hbm>> -> memref<1x128x128xf32, #tpu.memory_space<hbm>>
    %dma_wait3A_284 = tpu.memref_squeeze %dma_wait3A_283 : memref<1x128x128xf32, #tpu.memory_space<hbm>> -> memref<128x128xf32, #tpu.memory_space<hbm>>
    %dma_wait3A_285 = arith.constant 0 : i32
    %dma_wait3A_286 = arith.constant 0 : i32
    %dma_wait3A_287 = tpu.memref_slice %arg6[%dma_wait3A_273, %dma_wait3A_285, %dma_wait3A_286] : memref<5x128x128xf32, #tpu.memory_space<vmem>> -> memref<1x128x128xf32, #tpu.memory_space<vmem>>
    %dma_wait3A_288 = tpu.memref_squeeze %dma_wait3A_287 : memref<1x128x128xf32, #tpu.memory_space<vmem>> -> memref<128x128xf32, #tpu.memory_space<vmem>>
    tpu.wait_dma2 semaphore(%arg14 : memref<!tpu.dma_semaphore, #tpu.memory_space<semaphore_mem>>) src(%dma_wait3A_288 : memref<128x128xf32, #tpu.memory_space<vmem>>) dst(%dma_wait3A_284 : memref<128x128xf32, #tpu.memory_space<hbm>>)
    %dma_start3A_289 = arith.constant 1 : i32
    %dma_start3A_290 = arith.constant 2 : i32
    %dma_start3A_291 = arith.constant 0 : i32
    %dma_start3A_292 = arith.constant 0 : i32
    %dma_start3A_293 = tpu.memref_slice %arg6[%dma_start3A_290, %dma_start3A_291, %dma_start3A_292] : memref<5x128x128xf32, #tpu.memory_space<vmem>> -> memref<1x128x128xf32, #tpu.memory_space<vmem>>
    %dma_start3A_294 = tpu.memref_squeeze %dma_start3A_293 : memref<1x128x128xf32, #tpu.memory_space<vmem>> -> memref<128x128xf32, #tpu.memory_space<vmem>>
    %dma_start3A_295 = arith.constant 384 : i32
    %dma_start3A_296 = tpu.memref_slice %arg5[%dma_start3A_289, %dma_start3A_295] : memref<50x512xi32, #tpu.memory_space<vmem>> -> memref<1x128xi32, #tpu.memory_space<vmem>>
    %dma_start3A_297 = tpu.memref_squeeze %dma_start3A_296 : memref<1x128xi32, #tpu.memory_space<vmem>> -> memref<128xi32, #tpu.memory_space<vmem>>
    %dma_start3A_298 = arith.constant 0 : i32
    %dma_start3A_299 = arith.constant 0 : i32
    %dma_start3A_300 = tpu.memref_slice %arg3[%dma_start3A_298, %dma_start3A_299] : memref<100000x128xf32, #tpu.memory_space<hbm>> -> memref<100000x128xf32, #tpu.memory_space<hbm>>
    tpu.enqueue_indirect_dma source(%dma_start3A_300 : memref<100000x128xf32, #tpu.memory_space<hbm>>) target(%dma_start3A_294 : memref<128x128xf32, #tpu.memory_space<vmem>>) offsets(%dma_start3A_297 : memref<128xi32, #tpu.memory_space<vmem>>) semaphore(%arg9 : memref<!tpu.dma_semaphore, #tpu.memory_space<semaphore_mem>>)
    %scan3A = arith.constant 0 : i32
    %scan3A_301 = arith.constant 1 : i32
    %scan3A_302 = arith.constant 38 : i32
    %scan3A_303 = arith.addi %scan3A_301, %scan3A_302 : i32
    %scan3A_304 = arith.constant 1 : i32
    scf.for %scan3A_606 = %scan3A_301 to %scan3A_303 step %scan3A_304  : i32 {
      %mul3A_607 = arith.constant 5 : i32
      %mul3A_608 = arith.muli %mul3A_607, %scan3A_606 : i32
      %add3A_609 = arith.constant 0 : i32
      %add3A_610 = arith.addi %mul3A_608, %add3A_609 : i32
      %jit3A = arith.constant 4 : i32
      %div3A = arith.divsi %add3A_610, %jit3A : i32
      %sign3A = arith.constant 0 : i32
      %sign3A_611 = arith.cmpi sgt, %add3A_610, %sign3A : i32
      %sign3A_612 = arith.extui %sign3A_611 : i1 to i32
      %sign3A_613 = arith.constant 0 : i32
      %sign3A_614 = arith.cmpi slt, %add3A_610, %sign3A_613 : i32
      %sign3A_615 = arith.extui %sign3A_614 : i1 to i32
      %sign3A_616 = arith.subi %sign3A_612, %sign3A_615 : i32
      %sign3A_617 = arith.constant 0 : i32
      %sign3A_618 = arith.cmpi sgt, %jit3A, %sign3A_617 : i32
      %sign3A_619 = arith.extui %sign3A_618 : i1 to i32
      %sign3A_620 = arith.constant 0 : i32
      %sign3A_621 = arith.cmpi slt, %jit3A, %sign3A_620 : i32
      %sign3A_622 = arith.extui %sign3A_621 : i1 to i32
      %sign3A_623 = arith.subi %sign3A_619, %sign3A_622 : i32
      %ne3A = arith.cmpi ne, %sign3A_616, %sign3A_623 : i32
      %rem3A = arith.remsi %add3A_610, %jit3A : i32
      %ne3A_624 = arith.constant 0 : i32
      %ne3A_625 = arith.cmpi ne, %rem3A, %ne3A_624 : i32
      %and3A = arith.andi %ne3A, %ne3A_625 : i1
      %sub3A = arith.constant 1 : i32
      %sub3A_626 = arith.subi %div3A, %sub3A : i32
      %select_n3A = arith.select %and3A, %sub3A_626, %div3A : i32
      %jit3A_627 = arith.constant 4 : i32
      %eq3A = arith.constant 0 : i32
      %eq3A_628 = arith.cmpi eq, %jit3A_627, %eq3A : i32
      %jit3A_629 = arith.constant 1 : i32
      %select_n3A_630 = arith.select %eq3A_628, %jit3A_629, %jit3A_627 : i32
      %rem3A_631 = arith.remsi %add3A_610, %select_n3A_630 : i32
      %ne3A_632 = arith.constant 0 : i32
      %ne3A_633 = arith.cmpi ne, %rem3A_631, %ne3A_632 : i32
      %lt3A = arith.constant 0 : i32
      %lt3A_634 = arith.cmpi slt, %rem3A_631, %lt3A : i32
      %lt3A_635 = arith.constant 0 : i32
      %lt3A_636 = arith.cmpi slt, %select_n3A_630, %lt3A_635 : i32
      %ne3A_637 = arith.xori %lt3A_634, %lt3A_636 : i1
      %and3A_638 = arith.andi %ne3A_637, %ne3A_633 : i1
      %add3A_639 = arith.addi %rem3A_631, %select_n3A_630 : i32
      %select_n3A_640 = arith.select %and3A_638, %add3A_639, %rem3A_631 : i32
      %mul3A_641 = arith.constant 128 : i32
      %mul3A_642 = arith.muli %select_n3A_640, %mul3A_641 : i32
      %dma_wait3A_643 = arith.constant 0 : i32
      %dma_wait3A_644 = arith.constant 0 : i32
      %dma_wait3A_645 = arith.constant 0 : i32
      %dma_wait3A_646 = tpu.memref_slice %arg6[%dma_wait3A_643, %dma_wait3A_644, %dma_wait3A_645] : memref<5x128x128xf32, #tpu.memory_space<vmem>> -> memref<1x128x128xf32, #tpu.memory_space<vmem>>
      %dma_wait3A_647 = tpu.memref_squeeze %dma_wait3A_646 : memref<1x128x128xf32, #tpu.memory_space<vmem>> -> memref<128x128xf32, #tpu.memory_space<vmem>>
      %dma_wait3A_648 = tpu.memref_slice %arg5[%select_n3A, %mul3A_642] : memref<50x512xi32, #tpu.memory_space<vmem>> -> memref<1x128xi32, #tpu.memory_space<vmem>>
      %dma_wait3A_649 = tpu.memref_squeeze %dma_wait3A_648 : memref<1x128xi32, #tpu.memory_space<vmem>> -> memref<128xi32, #tpu.memory_space<vmem>>
      %dma_wait3A_650 = arith.constant 0 : i32
      %dma_wait3A_651 = arith.constant 0 : i32
      %dma_wait3A_652 = tpu.memref_slice %arg3[%dma_wait3A_650, %dma_wait3A_651] : memref<100000x128xf32, #tpu.memory_space<hbm>> -> memref<100000x128xf32, #tpu.memory_space<hbm>>
      tpu.wait_indirect_dma semaphore(%arg7 : memref<!tpu.dma_semaphore, #tpu.memory_space<semaphore_mem>>) src(%dma_wait3A_652 : memref<100000x128xf32, #tpu.memory_space<hbm>>) dst(%dma_wait3A_647 : memref<128x128xf32, #tpu.memory_space<vmem>>)
      %jit3A_653 = arith.constant 4 : i32
      %div3A_654 = arith.divsi %add3A_610, %jit3A_653 : i32
      %sign3A_655 = arith.constant 0 : i32
      %sign3A_656 = arith.cmpi sgt, %add3A_610, %sign3A_655 : i32
      %sign3A_657 = arith.extui %sign3A_656 : i1 to i32
      %sign3A_658 = arith.constant 0 : i32
      %sign3A_659 = arith.cmpi slt, %add3A_610, %sign3A_658 : i32
      %sign3A_660 = arith.extui %sign3A_659 : i1 to i32
      %sign3A_661 = arith.subi %sign3A_657, %sign3A_660 : i32
      %sign3A_662 = arith.constant 0 : i32
      %sign3A_663 = arith.cmpi sgt, %jit3A_653, %sign3A_662 : i32
      %sign3A_664 = arith.extui %sign3A_663 : i1 to i32
      %sign3A_665 = arith.constant 0 : i32
      %sign3A_666 = arith.cmpi slt, %jit3A_653, %sign3A_665 : i32
      %sign3A_667 = arith.extui %sign3A_666 : i1 to i32
      %sign3A_668 = arith.subi %sign3A_664, %sign3A_667 : i32
      %ne3A_669 = arith.cmpi ne, %sign3A_661, %sign3A_668 : i32
      %rem3A_670 = arith.remsi %add3A_610, %jit3A_653 : i32
      %ne3A_671 = arith.constant 0 : i32
      %ne3A_672 = arith.cmpi ne, %rem3A_670, %ne3A_671 : i32
      %and3A_673 = arith.andi %ne3A_669, %ne3A_672 : i1
      %sub3A_674 = arith.constant 1 : i32
      %sub3A_675 = arith.subi %div3A_654, %sub3A_674 : i32
      %select_n3A_676 = arith.select %and3A_673, %sub3A_675, %div3A_654 : i32
      %jit3A_677 = arith.constant 4 : i32
      %eq3A_678 = arith.constant 0 : i32
      %eq3A_679 = arith.cmpi eq, %jit3A_677, %eq3A_678 : i32
      %jit3A_680 = arith.constant 1 : i32
      %select_n3A_681 = arith.select %eq3A_679, %jit3A_680, %jit3A_677 : i32
      %rem3A_682 = arith.remsi %add3A_610, %select_n3A_681 : i32
      %ne3A_683 = arith.constant 0 : i32
      %ne3A_684 = arith.cmpi ne, %rem3A_682, %ne3A_683 : i32
      %lt3A_685 = arith.constant 0 : i32
      %lt3A_686 = arith.cmpi slt, %rem3A_682, %lt3A_685 : i32
      %lt3A_687 = arith.constant 0 : i32
      %lt3A_688 = arith.cmpi slt, %select_n3A_681, %lt3A_687 : i32
      %ne3A_689 = arith.xori %lt3A_686, %lt3A_688 : i1
      %and3A_690 = arith.andi %ne3A_689, %ne3A_684 : i1
      %add3A_691 = arith.addi %rem3A_682, %select_n3A_681 : i32
      %select_n3A_692 = arith.select %and3A_690, %add3A_691, %rem3A_682 : i32
      %mul3A_693 = arith.constant 128 : i32
      %mul3A_694 = arith.muli %select_n3A_692, %mul3A_693 : i32
      %add3A_695 = arith.addi %mul3A_2, %mul3A_694 : i32
      %dma_start3A_696 = arith.constant 0 : i32
      %dma_start3A_697 = arith.constant 0 : i32
      %dma_start3A_698 = arith.constant 0 : i32
      %dma_start3A_699 = tpu.memref_slice %arg6[%dma_start3A_696, %dma_start3A_697, %dma_start3A_698] : memref<5x128x128xf32, #tpu.memory_space<vmem>> -> memref<1x128x128xf32, #tpu.memory_space<vmem>>
      %dma_start3A_700 = tpu.memref_squeeze %dma_start3A_699 : memref<1x128x128xf32, #tpu.memory_space<vmem>> -> memref<128x128xf32, #tpu.memory_space<vmem>>
      %dma_start3A_701 = arith.constant 0 : i32
      %dma_start3A_702 = tpu.memref_slice %arg4[%select_n3A_676, %add3A_695, %dma_start3A_701] : memref<50x16384x128xf32, #tpu.memory_space<hbm>> -> memref<1x128x128xf32, #tpu.memory_space<hbm>>
      %dma_start3A_703 = tpu.memref_squeeze %dma_start3A_702 : memref<1x128x128xf32, #tpu.memory_space<hbm>> -> memref<128x128xf32, #tpu.memory_space<hbm>>
      %dma_start3A_704 = arith.constant 0 : i32
      %dma_start3A_705 = tpu.memref_slice %arg4[%select_n3A_676, %add3A_695, %dma_start3A_704] : memref<50x16384x128xf32, #tpu.memory_space<hbm>> -> memref<1x128x128xf32, #tpu.memory_space<hbm>>
      %dma_start3A_706 = tpu.memref_squeeze %dma_start3A_705 : memref<1x128x128xf32, #tpu.memory_space<hbm>> -> memref<128x128xf32, #tpu.memory_space<hbm>>
      %dma_start3A_707 = arith.constant 0 : i32
      %dma_start3A_708 = arith.constant 0 : i32
      %dma_start3A_709 = tpu.memref_slice %arg6[%dma_start3A_696, %dma_start3A_707, %dma_start3A_708] : memref<5x128x128xf32, #tpu.memory_space<vmem>> -> memref<1x128x128xf32, #tpu.memory_space<vmem>>
      %dma_start3A_710 = tpu.memref_squeeze %dma_start3A_709 : memref<1x128x128xf32, #tpu.memory_space<vmem>> -> memref<128x128xf32, #tpu.memory_space<vmem>>
      tpu.enqueue_dma source(%dma_start3A_710 : memref<128x128xf32, #tpu.memory_space<vmem>>) target(%dma_start3A_706 : memref<128x128xf32, #tpu.memory_space<hbm>>) target_semaphore(%arg12 : memref<!tpu.dma_semaphore, #tpu.memory_space<semaphore_mem>>)
      %add3A_711 = arith.constant 3 : i32
      %add3A_712 = arith.addi %add3A_610, %add3A_711 : i32
      %sub3A_713 = arith.constant 5 : i32
      %sub3A_714 = arith.subi %add3A_712, %sub3A_713 : i32
      %jit3A_715 = arith.constant 4 : i32
      %div3A_716 = arith.divsi %sub3A_714, %jit3A_715 : i32
      %sign3A_717 = arith.constant 0 : i32
      %sign3A_718 = arith.cmpi sgt, %sub3A_714, %sign3A_717 : i32
      %sign3A_719 = arith.extui %sign3A_718 : i1 to i32
      %sign3A_720 = arith.constant 0 : i32
      %sign3A_721 = arith.cmpi slt, %sub3A_714, %sign3A_720 : i32
      %sign3A_722 = arith.extui %sign3A_721 : i1 to i32
      %sign3A_723 = arith.subi %sign3A_719, %sign3A_722 : i32
      %sign3A_724 = arith.constant 0 : i32
      %sign3A_725 = arith.cmpi sgt, %jit3A_715, %sign3A_724 : i32
      %sign3A_726 = arith.extui %sign3A_725 : i1 to i32
      %sign3A_727 = arith.constant 0 : i32
      %sign3A_728 = arith.cmpi slt, %jit3A_715, %sign3A_727 : i32
      %sign3A_729 = arith.extui %sign3A_728 : i1 to i32
      %sign3A_730 = arith.subi %sign3A_726, %sign3A_729 : i32
      %ne3A_731 = arith.cmpi ne, %sign3A_723, %sign3A_730 : i32
      %rem3A_732 = arith.remsi %sub3A_714, %jit3A_715 : i32
      %ne3A_733 = arith.constant 0 : i32
      %ne3A_734 = arith.cmpi ne, %rem3A_732, %ne3A_733 : i32
      %and3A_735 = arith.andi %ne3A_731, %ne3A_734 : i1
      %sub3A_736 = arith.constant 1 : i32
      %sub3A_737 = arith.subi %div3A_716, %sub3A_736 : i32
      %select_n3A_738 = arith.select %and3A_735, %sub3A_737, %div3A_716 : i32
      %jit3A_739 = arith.constant 4 : i32
      %eq3A_740 = arith.constant 0 : i32
      %eq3A_741 = arith.cmpi eq, %jit3A_739, %eq3A_740 : i32
      %jit3A_742 = arith.constant 1 : i32
      %select_n3A_743 = arith.select %eq3A_741, %jit3A_742, %jit3A_739 : i32
      %rem3A_744 = arith.remsi %sub3A_714, %select_n3A_743 : i32
      %ne3A_745 = arith.constant 0 : i32
      %ne3A_746 = arith.cmpi ne, %rem3A_744, %ne3A_745 : i32
      %lt3A_747 = arith.constant 0 : i32
      %lt3A_748 = arith.cmpi slt, %rem3A_744, %lt3A_747 : i32
      %lt3A_749 = arith.constant 0 : i32
      %lt3A_750 = arith.cmpi slt, %select_n3A_743, %lt3A_749 : i32
      %ne3A_751 = arith.xori %lt3A_748, %lt3A_750 : i1
      %and3A_752 = arith.andi %ne3A_751, %ne3A_746 : i1
      %add3A_753 = arith.addi %rem3A_744, %select_n3A_743 : i32
      %select_n3A_754 = arith.select %and3A_752, %add3A_753, %rem3A_744 : i32
      %mul3A_755 = arith.constant 128 : i32
      %mul3A_756 = arith.muli %select_n3A_754, %mul3A_755 : i32
      %add3A_757 = arith.addi %mul3A_2, %mul3A_756 : i32
      %dma_wait3A_758 = arith.constant 3 : i32
      %dma_wait3A_759 = arith.constant 0 : i32
      %dma_wait3A_760 = arith.constant 0 : i32
      %dma_wait3A_761 = tpu.memref_slice %arg6[%dma_wait3A_758, %dma_wait3A_759, %dma_wait3A_760] : memref<5x128x128xf32, #tpu.memory_space<vmem>> -> memref<1x128x128xf32, #tpu.memory_space<vmem>>
      %dma_wait3A_762 = tpu.memref_squeeze %dma_wait3A_761 : memref<1x128x128xf32, #tpu.memory_space<vmem>> -> memref<128x128xf32, #tpu.memory_space<vmem>>
      %dma_wait3A_763 = arith.constant 0 : i32
      %dma_wait3A_764 = tpu.memref_slice %arg4[%select_n3A_738, %add3A_757, %dma_wait3A_763] : memref<50x16384x128xf32, #tpu.memory_space<hbm>> -> memref<1x128x128xf32, #tpu.memory_space<hbm>>
      %dma_wait3A_765 = tpu.memref_squeeze %dma_wait3A_764 : memref<1x128x128xf32, #tpu.memory_space<hbm>> -> memref<128x128xf32, #tpu.memory_space<hbm>>
      %dma_wait3A_766 = arith.constant 0 : i32
      %dma_wait3A_767 = tpu.memref_slice %arg4[%select_n3A_738, %add3A_757, %dma_wait3A_766] : memref<50x16384x128xf32, #tpu.memory_space<hbm>> -> memref<1x128x128xf32, #tpu.memory_space<hbm>>
      %dma_wait3A_768 = tpu.memref_squeeze %dma_wait3A_767 : memref<1x128x128xf32, #tpu.memory_space<hbm>> -> memref<128x128xf32, #tpu.memory_space<hbm>>
      %dma_wait3A_769 = arith.constant 0 : i32
      %dma_wait3A_770 = arith.constant 0 : i32
      %dma_wait3A_771 = tpu.memref_slice %arg6[%dma_wait3A_758, %dma_wait3A_769, %dma_wait3A_770] : memref<5x128x128xf32, #tpu.memory_space<vmem>> -> memref<1x128x128xf32, #tpu.memory_space<vmem>>
      %dma_wait3A_772 = tpu.memref_squeeze %dma_wait3A_771 : memref<1x128x128xf32, #tpu.memory_space<vmem>> -> memref<128x128xf32, #tpu.memory_space<vmem>>
      tpu.wait_dma2 semaphore(%arg15 : memref<!tpu.dma_semaphore, #tpu.memory_space<semaphore_mem>>) src(%dma_wait3A_772 : memref<128x128xf32, #tpu.memory_space<vmem>>) dst(%dma_wait3A_768 : memref<128x128xf32, #tpu.memory_space<hbm>>)
      %add3A_773 = arith.constant 3 : i32
      %add3A_774 = arith.addi %add3A_610, %add3A_773 : i32
      %jit3A_775 = arith.constant 4 : i32
      %div3A_776 = arith.divsi %add3A_774, %jit3A_775 : i32
      %sign3A_777 = arith.constant 0 : i32
      %sign3A_778 = arith.cmpi sgt, %add3A_774, %sign3A_777 : i32
      %sign3A_779 = arith.extui %sign3A_778 : i1 to i32
      %sign3A_780 = arith.constant 0 : i32
      %sign3A_781 = arith.cmpi slt, %add3A_774, %sign3A_780 : i32
      %sign3A_782 = arith.extui %sign3A_781 : i1 to i32
      %sign3A_783 = arith.subi %sign3A_779, %sign3A_782 : i32
      %sign3A_784 = arith.constant 0 : i32
      %sign3A_785 = arith.cmpi sgt, %jit3A_775, %sign3A_784 : i32
      %sign3A_786 = arith.extui %sign3A_785 : i1 to i32
      %sign3A_787 = arith.constant 0 : i32
      %sign3A_788 = arith.cmpi slt, %jit3A_775, %sign3A_787 : i32
      %sign3A_789 = arith.extui %sign3A_788 : i1 to i32
      %sign3A_790 = arith.subi %sign3A_786, %sign3A_789 : i32
      %ne3A_791 = arith.cmpi ne, %sign3A_783, %sign3A_790 : i32
      %rem3A_792 = arith.remsi %add3A_774, %jit3A_775 : i32
      %ne3A_793 = arith.constant 0 : i32
      %ne3A_794 = arith.cmpi ne, %rem3A_792, %ne3A_793 : i32
      %and3A_795 = arith.andi %ne3A_791, %ne3A_794 : i1
      %sub3A_796 = arith.constant 1 : i32
      %sub3A_797 = arith.subi %div3A_776, %sub3A_796 : i32
      %select_n3A_798 = arith.select %and3A_795, %sub3A_797, %div3A_776 : i32
      %jit3A_799 = arith.constant 4 : i32
      %eq3A_800 = arith.constant 0 : i32
      %eq3A_801 = arith.cmpi eq, %jit3A_799, %eq3A_800 : i32
      %jit3A_802 = arith.constant 1 : i32
      %select_n3A_803 = arith.select %eq3A_801, %jit3A_802, %jit3A_799 : i32
      %rem3A_804 = arith.remsi %add3A_774, %select_n3A_803 : i32
      %ne3A_805 = arith.constant 0 : i32
      %ne3A_806 = arith.cmpi ne, %rem3A_804, %ne3A_805 : i32
      %lt3A_807 = arith.constant 0 : i32
      %lt3A_808 = arith.cmpi slt, %rem3A_804, %lt3A_807 : i32
      %lt3A_809 = arith.constant 0 : i32
      %lt3A_810 = arith.cmpi slt, %select_n3A_803, %lt3A_809 : i32
      %ne3A_811 = arith.xori %lt3A_808, %lt3A_810 : i1
      %and3A_812 = arith.andi %ne3A_811, %ne3A_806 : i1
      %add3A_813 = arith.addi %rem3A_804, %select_n3A_803 : i32
      %select_n3A_814 = arith.select %and3A_812, %add3A_813, %rem3A_804 : i32
      %mul3A_815 = arith.constant 128 : i32
      %mul3A_816 = arith.muli %select_n3A_814, %mul3A_815 : i32
      %dma_start3A_817 = arith.constant 3 : i32
      %dma_start3A_818 = arith.constant 0 : i32
      %dma_start3A_819 = arith.constant 0 : i32
      %dma_start3A_820 = tpu.memref_slice %arg6[%dma_start3A_817, %dma_start3A_818, %dma_start3A_819] : memref<5x128x128xf32, #tpu.memory_space<vmem>> -> memref<1x128x128xf32, #tpu.memory_space<vmem>>
      %dma_start3A_821 = tpu.memref_squeeze %dma_start3A_820 : memref<1x128x128xf32, #tpu.memory_space<vmem>> -> memref<128x128xf32, #tpu.memory_space<vmem>>
      %dma_start3A_822 = tpu.memref_slice %arg5[%select_n3A_798, %mul3A_816] : memref<50x512xi32, #tpu.memory_space<vmem>> -> memref<1x128xi32, #tpu.memory_space<vmem>>
      %dma_start3A_823 = tpu.memref_squeeze %dma_start3A_822 : memref<1x128xi32, #tpu.memory_space<vmem>> -> memref<128xi32, #tpu.memory_space<vmem>>
      %dma_start3A_824 = arith.constant 0 : i32
      %dma_start3A_825 = arith.constant 0 : i32
      %dma_start3A_826 = tpu.memref_slice %arg3[%dma_start3A_824, %dma_start3A_825] : memref<100000x128xf32, #tpu.memory_space<hbm>> -> memref<100000x128xf32, #tpu.memory_space<hbm>>
      tpu.enqueue_indirect_dma source(%dma_start3A_826 : memref<100000x128xf32, #tpu.memory_space<hbm>>) target(%dma_start3A_821 : memref<128x128xf32, #tpu.memory_space<vmem>>) offsets(%dma_start3A_823 : memref<128xi32, #tpu.memory_space<vmem>>) semaphore(%arg10 : memref<!tpu.dma_semaphore, #tpu.memory_space<semaphore_mem>>)
      %mul3A_827 = arith.constant 5 : i32
      %mul3A_828 = arith.muli %mul3A_827, %scan3A_606 : i32
      %add3A_829 = arith.constant 1 : i32
      %add3A_830 = arith.addi %mul3A_828, %add3A_829 : i32
      %jit3A_831 = arith.constant 4 : i32
      %div3A_832 = arith.divsi %add3A_830, %jit3A_831 : i32
      %sign3A_833 = arith.constant 0 : i32
      %sign3A_834 = arith.cmpi sgt, %add3A_830, %sign3A_833 : i32
      %sign3A_835 = arith.extui %sign3A_834 : i1 to i32
      %sign3A_836 = arith.constant 0 : i32
      %sign3A_837 = arith.cmpi slt, %add3A_830, %sign3A_836 : i32
      %sign3A_838 = arith.extui %sign3A_837 : i1 to i32
      %sign3A_839 = arith.subi %sign3A_835, %sign3A_838 : i32
      %sign3A_840 = arith.constant 0 : i32
      %sign3A_841 = arith.cmpi sgt, %jit3A_831, %sign3A_840 : i32
      %sign3A_842 = arith.extui %sign3A_841 : i1 to i32
      %sign3A_843 = arith.constant 0 : i32
      %sign3A_844 = arith.cmpi slt, %jit3A_831, %sign3A_843 : i32
      %sign3A_845 = arith.extui %sign3A_844 : i1 to i32
      %sign3A_846 = arith.subi %sign3A_842, %sign3A_845 : i32
      %ne3A_847 = arith.cmpi ne, %sign3A_839, %sign3A_846 : i32
      %rem3A_848 = arith.remsi %add3A_830, %jit3A_831 : i32
      %ne3A_849 = arith.constant 0 : i32
      %ne3A_850 = arith.cmpi ne, %rem3A_848, %ne3A_849 : i32
      %and3A_851 = arith.andi %ne3A_847, %ne3A_850 : i1
      %sub3A_852 = arith.constant 1 : i32
      %sub3A_853 = arith.subi %div3A_832, %sub3A_852 : i32
      %select_n3A_854 = arith.select %and3A_851, %sub3A_853, %div3A_832 : i32
      %jit3A_855 = arith.constant 4 : i32
      %eq3A_856 = arith.constant 0 : i32
      %eq3A_857 = arith.cmpi eq, %jit3A_855, %eq3A_856 : i32
      %jit3A_858 = arith.constant 1 : i32
      %select_n3A_859 = arith.select %eq3A_857, %jit3A_858, %jit3A_855 : i32
      %rem3A_860 = arith.remsi %add3A_830, %select_n3A_859 : i32
      %ne3A_861 = arith.constant 0 : i32
      %ne3A_862 = arith.cmpi ne, %rem3A_860, %ne3A_861 : i32
      %lt3A_863 = arith.constant 0 : i32
      %lt3A_864 = arith.cmpi slt, %rem3A_860, %lt3A_863 : i32
      %lt3A_865 = arith.constant 0 : i32
      %lt3A_866 = arith.cmpi slt, %select_n3A_859, %lt3A_865 : i32
      %ne3A_867 = arith.xori %lt3A_864, %lt3A_866 : i1
      %and3A_868 = arith.andi %ne3A_867, %ne3A_862 : i1
      %add3A_869 = arith.addi %rem3A_860, %select_n3A_859 : i32
      %select_n3A_870 = arith.select %and3A_868, %add3A_869, %rem3A_860 : i32
      %mul3A_871 = arith.constant 128 : i32
      %mul3A_872 = arith.muli %select_n3A_870, %mul3A_871 : i32
      %dma_wait3A_873 = arith.constant 1 : i32
      %dma_wait3A_874 = arith.constant 0 : i32
      %dma_wait3A_875 = arith.constant 0 : i32
      %dma_wait3A_876 = tpu.memref_slice %arg6[%dma_wait3A_873, %dma_wait3A_874, %dma_wait3A_875] : memref<5x128x128xf32, #tpu.memory_space<vmem>> -> memref<1x128x128xf32, #tpu.memory_space<vmem>>
      %dma_wait3A_877 = tpu.memref_squeeze %dma_wait3A_876 : memref<1x128x128xf32, #tpu.memory_space<vmem>> -> memref<128x128xf32, #tpu.memory_space<vmem>>
      %dma_wait3A_878 = tpu.memref_slice %arg5[%select_n3A_854, %mul3A_872] : memref<50x512xi32, #tpu.memory_space<vmem>> -> memref<1x128xi32, #tpu.memory_space<vmem>>
      %dma_wait3A_879 = tpu.memref_squeeze %dma_wait3A_878 : memref<1x128xi32, #tpu.memory_space<vmem>> -> memref<128xi32, #tpu.memory_space<vmem>>
      %dma_wait3A_880 = arith.constant 0 : i32
      %dma_wait3A_881 = arith.constant 0 : i32
      %dma_wait3A_882 = tpu.memref_slice %arg3[%dma_wait3A_880, %dma_wait3A_881] : memref<100000x128xf32, #tpu.memory_space<hbm>> -> memref<100000x128xf32, #tpu.memory_space<hbm>>
      tpu.wait_indirect_dma semaphore(%arg8 : memref<!tpu.dma_semaphore, #tpu.memory_space<semaphore_mem>>) src(%dma_wait3A_882 : memref<100000x128xf32, #tpu.memory_space<hbm>>) dst(%dma_wait3A_877 : memref<128x128xf32, #tpu.memory_space<vmem>>)
      %jit3A_883 = arith.constant 4 : i32
      %div3A_884 = arith.divsi %add3A_830, %jit3A_883 : i32
      %sign3A_885 = arith.constant 0 : i32
      %sign3A_886 = arith.cmpi sgt, %add3A_830, %sign3A_885 : i32
      %sign3A_887 = arith.extui %sign3A_886 : i1 to i32
      %sign3A_888 = arith.constant 0 : i32
      %sign3A_889 = arith.cmpi slt, %add3A_830, %sign3A_888 : i32
      %sign3A_890 = arith.extui %sign3A_889 : i1 to i32
      %sign3A_891 = arith.subi %sign3A_887, %sign3A_890 : i32
      %sign3A_892 = arith.constant 0 : i32
      %sign3A_893 = arith.cmpi sgt, %jit3A_883, %sign3A_892 : i32
      %sign3A_894 = arith.extui %sign3A_893 : i1 to i32
      %sign3A_895 = arith.constant 0 : i32
      %sign3A_896 = arith.cmpi slt, %jit3A_883, %sign3A_895 : i32
      %sign3A_897 = arith.extui %sign3A_896 : i1 to i32
      %sign3A_898 = arith.subi %sign3A_894, %sign3A_897 : i32
      %ne3A_899 = arith.cmpi ne, %sign3A_891, %sign3A_898 : i32
      %rem3A_900 = arith.remsi %add3A_830, %jit3A_883 : i32
      %ne3A_901 = arith.constant 0 : i32
      %ne3A_902 = arith.cmpi ne, %rem3A_900, %ne3A_901 : i32
      %and3A_903 = arith.andi %ne3A_899, %ne3A_902 : i1
      %sub3A_904 = arith.constant 1 : i32
      %sub3A_905 = arith.subi %div3A_884, %sub3A_904 : i32
      %select_n3A_906 = arith.select %and3A_903, %sub3A_905, %div3A_884 : i32
      %jit3A_907 = arith.constant 4 : i32
      %eq3A_908 = arith.constant 0 : i32
      %eq3A_909 = arith.cmpi eq, %jit3A_907, %eq3A_908 : i32
      %jit3A_910 = arith.constant 1 : i32
      %select_n3A_911 = arith.select %eq3A_909, %jit3A_910, %jit3A_907 : i32
      %rem3A_912 = arith.remsi %add3A_830, %select_n3A_911 : i32
      %ne3A_913 = arith.constant 0 : i32
      %ne3A_914 = arith.cmpi ne, %rem3A_912, %ne3A_913 : i32
      %lt3A_915 = arith.constant 0 : i32
      %lt3A_916 = arith.cmpi slt, %rem3A_912, %lt3A_915 : i32
      %lt3A_917 = arith.constant 0 : i32
      %lt3A_918 = arith.cmpi slt, %select_n3A_911, %lt3A_917 : i32
      %ne3A_919 = arith.xori %lt3A_916, %lt3A_918 : i1
      %and3A_920 = arith.andi %ne3A_919, %ne3A_914 : i1
      %add3A_921 = arith.addi %rem3A_912, %select_n3A_911 : i32
      %select_n3A_922 = arith.select %and3A_920, %add3A_921, %rem3A_912 : i32
      %mul3A_923 = arith.constant 128 : i32
      %mul3A_924 = arith.muli %select_n3A_922, %mul3A_923 : i32
      %add3A_925 = arith.addi %mul3A_2, %mul3A_924 : i32
      %dma_start3A_926 = arith.constant 1 : i32
      %dma_start3A_927 = arith.constant 0 : i32
      %dma_start3A_928 = arith.constant 0 : i32
      %dma_start3A_929 = tpu.memref_slice %arg6[%dma_start3A_926, %dma_start3A_927, %dma_start3A_928] : memref<5x128x128xf32, #tpu.memory_space<vmem>> -> memref<1x128x128xf32, #tpu.memory_space<vmem>>
      %dma_start3A_930 = tpu.memref_squeeze %dma_start3A_929 : memref<1x128x128xf32, #tpu.memory_space<vmem>> -> memref<128x128xf32, #tpu.memory_space<vmem>>
      %dma_start3A_931 = arith.constant 0 : i32
      %dma_start3A_932 = tpu.memref_slice %arg4[%select_n3A_906, %add3A_925, %dma_start3A_931] : memref<50x16384x128xf32, #tpu.memory_space<hbm>> -> memref<1x128x128xf32, #tpu.memory_space<hbm>>
      %dma_start3A_933 = tpu.memref_squeeze %dma_start3A_932 : memref<1x128x128xf32, #tpu.memory_space<hbm>> -> memref<128x128xf32, #tpu.memory_space<hbm>>
      %dma_start3A_934 = arith.constant 0 : i32
      %dma_start3A_935 = tpu.memref_slice %arg4[%select_n3A_906, %add3A_925, %dma_start3A_934] : memref<50x16384x128xf32, #tpu.memory_space<hbm>> -> memref<1x128x128xf32, #tpu.memory_space<hbm>>
      %dma_start3A_936 = tpu.memref_squeeze %dma_start3A_935 : memref<1x128x128xf32, #tpu.memory_space<hbm>> -> memref<128x128xf32, #tpu.memory_space<hbm>>
      %dma_start3A_937 = arith.constant 0 : i32
      %dma_start3A_938 = arith.constant 0 : i32
      %dma_start3A_939 = tpu.memref_slice %arg6[%dma_start3A_926, %dma_start3A_937, %dma_start3A_938] : memref<5x128x128xf32, #tpu.memory_space<vmem>> -> memref<1x128x128xf32, #tpu.memory_space<vmem>>
      %dma_start3A_940 = tpu.memref_squeeze %dma_start3A_939 : memref<1x128x128xf32, #tpu.memory_space<vmem>> -> memref<128x128xf32, #tpu.memory_space<vmem>>
      tpu.enqueue_dma source(%dma_start3A_940 : memref<128x128xf32, #tpu.memory_space<vmem>>) target(%dma_start3A_936 : memref<128x128xf32, #tpu.memory_space<hbm>>) target_semaphore(%arg13 : memref<!tpu.dma_semaphore, #tpu.memory_space<semaphore_mem>>)
      %add3A_941 = arith.constant 3 : i32
      %add3A_942 = arith.addi %add3A_830, %add3A_941 : i32
      %sub3A_943 = arith.constant 5 : i32
      %sub3A_944 = arith.subi %add3A_942, %sub3A_943 : i32
      %jit3A_945 = arith.constant 4 : i32
      %div3A_946 = arith.divsi %sub3A_944, %jit3A_945 : i32
      %sign3A_947 = arith.constant 0 : i32
      %sign3A_948 = arith.cmpi sgt, %sub3A_944, %sign3A_947 : i32
      %sign3A_949 = arith.extui %sign3A_948 : i1 to i32
      %sign3A_950 = arith.constant 0 : i32
      %sign3A_951 = arith.cmpi slt, %sub3A_944, %sign3A_950 : i32
      %sign3A_952 = arith.extui %sign3A_951 : i1 to i32
      %sign3A_953 = arith.subi %sign3A_949, %sign3A_952 : i32
      %sign3A_954 = arith.constant 0 : i32
      %sign3A_955 = arith.cmpi sgt, %jit3A_945, %sign3A_954 : i32
      %sign3A_956 = arith.extui %sign3A_955 : i1 to i32
      %sign3A_957 = arith.constant 0 : i32
      %sign3A_958 = arith.cmpi slt, %jit3A_945, %sign3A_957 : i32
      %sign3A_959 = arith.extui %sign3A_958 : i1 to i32
      %sign3A_960 = arith.subi %sign3A_956, %sign3A_959 : i32
      %ne3A_961 = arith.cmpi ne, %sign3A_953, %sign3A_960 : i32
      %rem3A_962 = arith.remsi %sub3A_944, %jit3A_945 : i32
      %ne3A_963 = arith.constant 0 : i32
      %ne3A_964 = arith.cmpi ne, %rem3A_962, %ne3A_963 : i32
      %and3A_965 = arith.andi %ne3A_961, %ne3A_964 : i1
      %sub3A_966 = arith.constant 1 : i32
      %sub3A_967 = arith.subi %div3A_946, %sub3A_966 : i32
      %select_n3A_968 = arith.select %and3A_965, %sub3A_967, %div3A_946 : i32
      %jit3A_969 = arith.constant 4 : i32
      %eq3A_970 = arith.constant 0 : i32
      %eq3A_971 = arith.cmpi eq, %jit3A_969, %eq3A_970 : i32
      %jit3A_972 = arith.constant 1 : i32
      %select_n3A_973 = arith.select %eq3A_971, %jit3A_972, %jit3A_969 : i32
      %rem3A_974 = arith.remsi %sub3A_944, %select_n3A_973 : i32
      %ne3A_975 = arith.constant 0 : i32
      %ne3A_976 = arith.cmpi ne, %rem3A_974, %ne3A_975 : i32
      %lt3A_977 = arith.constant 0 : i32
      %lt3A_978 = arith.cmpi slt, %rem3A_974, %lt3A_977 : i32
      %lt3A_979 = arith.constant 0 : i32
      %lt3A_980 = arith.cmpi slt, %select_n3A_973, %lt3A_979 : i32
      %ne3A_981 = arith.xori %lt3A_978, %lt3A_980 : i1
      %and3A_982 = arith.andi %ne3A_981, %ne3A_976 : i1
      %add3A_983 = arith.addi %rem3A_974, %select_n3A_973 : i32
      %select_n3A_984 = arith.select %and3A_982, %add3A_983, %rem3A_974 : i32
      %mul3A_985 = arith.constant 128 : i32
      %mul3A_986 = arith.muli %select_n3A_984, %mul3A_985 : i32
      %add3A_987 = arith.addi %mul3A_2, %mul3A_986 : i32
      %dma_wait3A_988 = arith.constant 4 : i32
      %dma_wait3A_989 = arith.constant 0 : i32
      %dma_wait3A_990 = arith.constant 0 : i32
      %dma_wait3A_991 = tpu.memref_slice %arg6[%dma_wait3A_988, %dma_wait3A_989, %dma_wait3A_990] : memref<5x128x128xf32, #tpu.memory_space<vmem>> -> memref<1x128x128xf32, #tpu.memory_space<vmem>>
      %dma_wait3A_992 = tpu.memref_squeeze %dma_wait3A_991 : memref<1x128x128xf32, #tpu.memory_space<vmem>> -> memref<128x128xf32, #tpu.memory_space<vmem>>
      %dma_wait3A_993 = arith.constant 0 : i32
      %dma_wait3A_994 = tpu.memref_slice %arg4[%select_n3A_968, %add3A_987, %dma_wait3A_993] : memref<50x16384x128xf32, #tpu.memory_space<hbm>> -> memref<1x128x128xf32, #tpu.memory_space<hbm>>
      %dma_wait3A_995 = tpu.memref_squeeze %dma_wait3A_994 : memref<1x128x128xf32, #tpu.memory_space<hbm>> -> memref<128x128xf32, #tpu.memory_space<hbm>>
      %dma_wait3A_996 = arith.constant 0 : i32
      %dma_wait3A_997 = tpu.memref_slice %arg4[%select_n3A_968, %add3A_987, %dma_wait3A_996] : memref<50x16384x128xf32, #tpu.memory_space<hbm>> -> memref<1x128x128xf32, #tpu.memory_space<hbm>>
      %dma_wait3A_998 = tpu.memref_squeeze %dma_wait3A_997 : memref<1x128x128xf32, #tpu.memory_space<hbm>> -> memref<128x128xf32, #tpu.memory_space<hbm>>
      %dma_wait3A_999 = arith.constant 0 : i32
      %dma_wait3A_1000 = arith.constant 0 : i32
      %dma_wait3A_1001 = tpu.memref_slice %arg6[%dma_wait3A_988, %dma_wait3A_999, %dma_wait3A_1000] : memref<5x128x128xf32, #tpu.memory_space<vmem>> -> memref<1x128x128xf32, #tpu.memory_space<vmem>>
      %dma_wait3A_1002 = tpu.memref_squeeze %dma_wait3A_1001 : memref<1x128x128xf32, #tpu.memory_space<vmem>> -> memref<128x128xf32, #tpu.memory_space<vmem>>
      tpu.wait_dma2 semaphore(%arg16 : memref<!tpu.dma_semaphore, #tpu.memory_space<semaphore_mem>>) src(%dma_wait3A_1002 : memref<128x128xf32, #tpu.memory_space<vmem>>) dst(%dma_wait3A_998 : memref<128x128xf32, #tpu.memory_space<hbm>>)
      %add3A_1003 = arith.constant 3 : i32
      %add3A_1004 = arith.addi %add3A_830, %add3A_1003 : i32
      %jit3A_1005 = arith.constant 4 : i32
      %div3A_1006 = arith.divsi %add3A_1004, %jit3A_1005 : i32
      %sign3A_1007 = arith.constant 0 : i32
      %sign3A_1008 = arith.cmpi sgt, %add3A_1004, %sign3A_1007 : i32
      %sign3A_1009 = arith.extui %sign3A_1008 : i1 to i32
      %sign3A_1010 = arith.constant 0 : i32
      %sign3A_1011 = arith.cmpi slt, %add3A_1004, %sign3A_1010 : i32
      %sign3A_1012 = arith.extui %sign3A_1011 : i1 to i32
      %sign3A_1013 = arith.subi %sign3A_1009, %sign3A_1012 : i32
      %sign3A_1014 = arith.constant 0 : i32
      %sign3A_1015 = arith.cmpi sgt, %jit3A_1005, %sign3A_1014 : i32
      %sign3A_1016 = arith.extui %sign3A_1015 : i1 to i32
      %sign3A_1017 = arith.constant 0 : i32
      %sign3A_1018 = arith.cmpi slt, %jit3A_1005, %sign3A_1017 : i32
      %sign3A_1019 = arith.extui %sign3A_1018 : i1 to i32
      %sign3A_1020 = arith.subi %sign3A_1016, %sign3A_1019 : i32
      %ne3A_1021 = arith.cmpi ne, %sign3A_1013, %sign3A_1020 : i32
      %rem3A_1022 = arith.remsi %add3A_1004, %jit3A_1005 : i32
      %ne3A_1023 = arith.constant 0 : i32
      %ne3A_1024 = arith.cmpi ne, %rem3A_1022, %ne3A_1023 : i32
      %and3A_1025 = arith.andi %ne3A_1021, %ne3A_1024 : i1
      %sub3A_1026 = arith.constant 1 : i32
      %sub3A_1027 = arith.subi %div3A_1006, %sub3A_1026 : i32
      %select_n3A_1028 = arith.select %and3A_1025, %sub3A_1027, %div3A_1006 : i32
      %jit3A_1029 = arith.constant 4 : i32
      %eq3A_1030 = arith.constant 0 : i32
      %eq3A_1031 = arith.cmpi eq, %jit3A_1029, %eq3A_1030 : i32
      %jit3A_1032 = arith.constant 1 : i32
      %select_n3A_1033 = arith.select %eq3A_1031, %jit3A_1032, %jit3A_1029 : i32
      %rem3A_1034 = arith.remsi %add3A_1004, %select_n3A_1033 : i32
      %ne3A_1035 = arith.constant 0 : i32
      %ne3A_1036 = arith.cmpi ne, %rem3A_1034, %ne3A_1035 : i32
      %lt3A_1037 = arith.constant 0 : i32
      %lt3A_1038 = arith.cmpi slt, %rem3A_1034, %lt3A_1037 : i32
      %lt3A_1039 = arith.constant 0 : i32
      %lt3A_1040 = arith.cmpi slt, %select_n3A_1033, %lt3A_1039 : i32
      %ne3A_1041 = arith.xori %lt3A_1038, %lt3A_1040 : i1
      %and3A_1042 = arith.andi %ne3A_1041, %ne3A_1036 : i1
      %add3A_1043 = arith.addi %rem3A_1034, %select_n3A_1033 : i32
      %select_n3A_1044 = arith.select %and3A_1042, %add3A_1043, %rem3A_1034 : i32
      %mul3A_1045 = arith.constant 128 : i32
      %mul3A_1046 = arith.muli %select_n3A_1044, %mul3A_1045 : i32
      %dma_start3A_1047 = arith.constant 4 : i32
      %dma_start3A_1048 = arith.constant 0 : i32
      %dma_start3A_1049 = arith.constant 0 : i32
      %dma_start3A_1050 = tpu.memref_slice %arg6[%dma_start3A_1047, %dma_start3A_1048, %dma_start3A_1049] : memref<5x128x128xf32, #tpu.memory_space<vmem>> -> memref<1x128x128xf32, #tpu.memory_space<vmem>>
      %dma_start3A_1051 = tpu.memref_squeeze %dma_start3A_1050 : memref<1x128x128xf32, #tpu.memory_space<vmem>> -> memref<128x128xf32, #tpu.memory_space<vmem>>
      %dma_start3A_1052 = tpu.memref_slice %arg5[%select_n3A_1028, %mul3A_1046] : memref<50x512xi32, #tpu.memory_space<vmem>> -> memref<1x128xi32, #tpu.memory_space<vmem>>
      %dma_start3A_1053 = tpu.memref_squeeze %dma_start3A_1052 : memref<1x128xi32, #tpu.memory_space<vmem>> -> memref<128xi32, #tpu.memory_space<vmem>>
      %dma_start3A_1054 = arith.constant 0 : i32
      %dma_start3A_1055 = arith.constant 0 : i32
      %dma_start3A_1056 = tpu.memref_slice %arg3[%dma_start3A_1054, %dma_start3A_1055] : memref<100000x128xf32, #tpu.memory_space<hbm>> -> memref<100000x128xf32, #tpu.memory_space<hbm>>
      tpu.enqueue_indirect_dma source(%dma_start3A_1056 : memref<100000x128xf32, #tpu.memory_space<hbm>>) target(%dma_start3A_1051 : memref<128x128xf32, #tpu.memory_space<vmem>>) offsets(%dma_start3A_1053 : memref<128xi32, #tpu.memory_space<vmem>>) semaphore(%arg11 : memref<!tpu.dma_semaphore, #tpu.memory_space<semaphore_mem>>)
      %mul3A_1057 = arith.constant 5 : i32
      %mul3A_1058 = arith.muli %mul3A_1057, %scan3A_606 : i32
      %add3A_1059 = arith.constant 2 : i32
      %add3A_1060 = arith.addi %mul3A_1058, %add3A_1059 : i32
      %jit3A_1061 = arith.constant 4 : i32
      %div3A_1062 = arith.divsi %add3A_1060, %jit3A_1061 : i32
      %sign3A_1063 = arith.constant 0 : i32
      %sign3A_1064 = arith.cmpi sgt, %add3A_1060, %sign3A_1063 : i32
      %sign3A_1065 = arith.extui %sign3A_1064 : i1 to i32
      %sign3A_1066 = arith.constant 0 : i32
      %sign3A_1067 = arith.cmpi slt, %add3A_1060, %sign3A_1066 : i32
      %sign3A_1068 = arith.extui %sign3A_1067 : i1 to i32
      %sign3A_1069 = arith.subi %sign3A_1065, %sign3A_1068 : i32
      %sign3A_1070 = arith.constant 0 : i32
      %sign3A_1071 = arith.cmpi sgt, %jit3A_1061, %sign3A_1070 : i32
      %sign3A_1072 = arith.extui %sign3A_1071 : i1 to i32
      %sign3A_1073 = arith.constant 0 : i32
      %sign3A_1074 = arith.cmpi slt, %jit3A_1061, %sign3A_1073 : i32
      %sign3A_1075 = arith.extui %sign3A_1074 : i1 to i32
      %sign3A_1076 = arith.subi %sign3A_1072, %sign3A_1075 : i32
      %ne3A_1077 = arith.cmpi ne, %sign3A_1069, %sign3A_1076 : i32
      %rem3A_1078 = arith.remsi %add3A_1060, %jit3A_1061 : i32
      %ne3A_1079 = arith.constant 0 : i32
      %ne3A_1080 = arith.cmpi ne, %rem3A_1078, %ne3A_1079 : i32
      %and3A_1081 = arith.andi %ne3A_1077, %ne3A_1080 : i1
      %sub3A_1082 = arith.constant 1 : i32
      %sub3A_1083 = arith.subi %div3A_1062, %sub3A_1082 : i32
      %select_n3A_1084 = arith.select %and3A_1081, %sub3A_1083, %div3A_1062 : i32
      %jit3A_1085 = arith.constant 4 : i32
      %eq3A_1086 = arith.constant 0 : i32
      %eq3A_1087 = arith.cmpi eq, %jit3A_1085, %eq3A_1086 : i32
      %jit3A_1088 = arith.constant 1 : i32
      %select_n3A_1089 = arith.select %eq3A_1087, %jit3A_1088, %jit3A_1085 : i32
      %rem3A_1090 = arith.remsi %add3A_1060, %select_n3A_1089 : i32
      %ne3A_1091 = arith.constant 0 : i32
      %ne3A_1092 = arith.cmpi ne, %rem3A_1090, %ne3A_1091 : i32
      %lt3A_1093 = arith.constant 0 : i32
      %lt3A_1094 = arith.cmpi slt, %rem3A_1090, %lt3A_1093 : i32
      %lt3A_1095 = arith.constant 0 : i32
      %lt3A_1096 = arith.cmpi slt, %select_n3A_1089, %lt3A_1095 : i32
      %ne3A_1097 = arith.xori %lt3A_1094, %lt3A_1096 : i1
      %and3A_1098 = arith.andi %ne3A_1097, %ne3A_1092 : i1
      %add3A_1099 = arith.addi %rem3A_1090, %select_n3A_1089 : i32
      %select_n3A_1100 = arith.select %and3A_1098, %add3A_1099, %rem3A_1090 : i32
      %mul3A_1101 = arith.constant 128 : i32
      %mul3A_1102 = arith.muli %select_n3A_1100, %mul3A_1101 : i32
      %dma_wait3A_1103 = arith.constant 2 : i32
      %dma_wait3A_1104 = arith.constant 0 : i32
      %dma_wait3A_1105 = arith.constant 0 : i32
      %dma_wait3A_1106 = tpu.memref_slice %arg6[%dma_wait3A_1103, %dma_wait3A_1104, %dma_wait3A_1105] : memref<5x128x128xf32, #tpu.memory_space<vmem>> -> memref<1x128x128xf32, #tpu.memory_space<vmem>>
      %dma_wait3A_1107 = tpu.memref_squeeze %dma_wait3A_1106 : memref<1x128x128xf32, #tpu.memory_space<vmem>> -> memref<128x128xf32, #tpu.memory_space<vmem>>
      %dma_wait3A_1108 = tpu.memref_slice %arg5[%select_n3A_1084, %mul3A_1102] : memref<50x512xi32, #tpu.memory_space<vmem>> -> memref<1x128xi32, #tpu.memory_space<vmem>>
      %dma_wait3A_1109 = tpu.memref_squeeze %dma_wait3A_1108 : memref<1x128xi32, #tpu.memory_space<vmem>> -> memref<128xi32, #tpu.memory_space<vmem>>
      %dma_wait3A_1110 = arith.constant 0 : i32
      %dma_wait3A_1111 = arith.constant 0 : i32
      %dma_wait3A_1112 = tpu.memref_slice %arg3[%dma_wait3A_1110, %dma_wait3A_1111] : memref<100000x128xf32, #tpu.memory_space<hbm>> -> memref<100000x128xf32, #tpu.memory_space<hbm>>
      tpu.wait_indirect_dma semaphore(%arg9 : memref<!tpu.dma_semaphore, #tpu.memory_space<semaphore_mem>>) src(%dma_wait3A_1112 : memref<100000x128xf32, #tpu.memory_space<hbm>>) dst(%dma_wait3A_1107 : memref<128x128xf32, #tpu.memory_space<vmem>>)
      %jit3A_1113 = arith.constant 4 : i32
      %div3A_1114 = arith.divsi %add3A_1060, %jit3A_1113 : i32
      %sign3A_1115 = arith.constant 0 : i32
      %sign3A_1116 = arith.cmpi sgt, %add3A_1060, %sign3A_1115 : i32
      %sign3A_1117 = arith.extui %sign3A_1116 : i1 to i32
      %sign3A_1118 = arith.constant 0 : i32
      %sign3A_1119 = arith.cmpi slt, %add3A_1060, %sign3A_1118 : i32
      %sign3A_1120 = arith.extui %sign3A_1119 : i1 to i32
      %sign3A_1121 = arith.subi %sign3A_1117, %sign3A_1120 : i32
      %sign3A_1122 = arith.constant 0 : i32
      %sign3A_1123 = arith.cmpi sgt, %jit3A_1113, %sign3A_1122 : i32
      %sign3A_1124 = arith.extui %sign3A_1123 : i1 to i32
      %sign3A_1125 = arith.constant 0 : i32
      %sign3A_1126 = arith.cmpi slt, %jit3A_1113, %sign3A_1125 : i32
      %sign3A_1127 = arith.extui %sign3A_1126 : i1 to i32
      %sign3A_1128 = arith.subi %sign3A_1124, %sign3A_1127 : i32
      %ne3A_1129 = arith.cmpi ne, %sign3A_1121, %sign3A_1128 : i32
      %rem3A_1130 = arith.remsi %add3A_1060, %jit3A_1113 : i32
      %ne3A_1131 = arith.constant 0 : i32
      %ne3A_1132 = arith.cmpi ne, %rem3A_1130, %ne3A_1131 : i32
      %and3A_1133 = arith.andi %ne3A_1129, %ne3A_1132 : i1
      %sub3A_1134 = arith.constant 1 : i32
      %sub3A_1135 = arith.subi %div3A_1114, %sub3A_1134 : i32
      %select_n3A_1136 = arith.select %and3A_1133, %sub3A_1135, %div3A_1114 : i32
      %jit3A_1137 = arith.constant 4 : i32
      %eq3A_1138 = arith.constant 0 : i32
      %eq3A_1139 = arith.cmpi eq, %jit3A_1137, %eq3A_1138 : i32
      %jit3A_1140 = arith.constant 1 : i32
      %select_n3A_1141 = arith.select %eq3A_1139, %jit3A_1140, %jit3A_1137 : i32
      %rem3A_1142 = arith.remsi %add3A_1060, %select_n3A_1141 : i32
      %ne3A_1143 = arith.constant 0 : i32
      %ne3A_1144 = arith.cmpi ne, %rem3A_1142, %ne3A_1143 : i32
      %lt3A_1145 = arith.constant 0 : i32
      %lt3A_1146 = arith.cmpi slt, %rem3A_1142, %lt3A_1145 : i32
      %lt3A_1147 = arith.constant 0 : i32
      %lt3A_1148 = arith.cmpi slt, %select_n3A_1141, %lt3A_1147 : i32
      %ne3A_1149 = arith.xori %lt3A_1146, %lt3A_1148 : i1
      %and3A_1150 = arith.andi %ne3A_1149, %ne3A_1144 : i1
      %add3A_1151 = arith.addi %rem3A_1142, %select_n3A_1141 : i32
      %select_n3A_1152 = arith.select %and3A_1150, %add3A_1151, %rem3A_1142 : i32
      %mul3A_1153 = arith.constant 128 : i32
      %mul3A_1154 = arith.muli %select_n3A_1152, %mul3A_1153 : i32
      %add3A_1155 = arith.addi %mul3A_2, %mul3A_1154 : i32
      %dma_start3A_1156 = arith.constant 2 : i32
      %dma_start3A_1157 = arith.constant 0 : i32
      %dma_start3A_1158 = arith.constant 0 : i32
      %dma_start3A_1159 = tpu.memref_slice %arg6[%dma_start3A_1156, %dma_start3A_1157, %dma_start3A_1158] : memref<5x128x128xf32, #tpu.memory_space<vmem>> -> memref<1x128x128xf32, #tpu.memory_space<vmem>>
      %dma_start3A_1160 = tpu.memref_squeeze %dma_start3A_1159 : memref<1x128x128xf32, #tpu.memory_space<vmem>> -> memref<128x128xf32, #tpu.memory_space<vmem>>
      %dma_start3A_1161 = arith.constant 0 : i32
      %dma_start3A_1162 = tpu.memref_slice %arg4[%select_n3A_1136, %add3A_1155, %dma_start3A_1161] : memref<50x16384x128xf32, #tpu.memory_space<hbm>> -> memref<1x128x128xf32, #tpu.memory_space<hbm>>
      %dma_start3A_1163 = tpu.memref_squeeze %dma_start3A_1162 : memref<1x128x128xf32, #tpu.memory_space<hbm>> -> memref<128x128xf32, #tpu.memory_space<hbm>>
      %dma_start3A_1164 = arith.constant 0 : i32
      %dma_start3A_1165 = tpu.memref_slice %arg4[%select_n3A_1136, %add3A_1155, %dma_start3A_1164] : memref<50x16384x128xf32, #tpu.memory_space<hbm>> -> memref<1x128x128xf32, #tpu.memory_space<hbm>>
      %dma_start3A_1166 = tpu.memref_squeeze %dma_start3A_1165 : memref<1x128x128xf32, #tpu.memory_space<hbm>> -> memref<128x128xf32, #tpu.memory_space<hbm>>
      %dma_start3A_1167 = arith.constant 0 : i32
      %dma_start3A_1168 = arith.constant 0 : i32
      %dma_start3A_1169 = tpu.memref_slice %arg6[%dma_start3A_1156, %dma_start3A_1167, %dma_start3A_1168] : memref<5x128x128xf32, #tpu.memory_space<vmem>> -> memref<1x128x128xf32, #tpu.memory_space<vmem>>
      %dma_start3A_1170 = tpu.memref_squeeze %dma_start3A_1169 : memref<1x128x128xf32, #tpu.memory_space<vmem>> -> memref<128x128xf32, #tpu.memory_space<vmem>>
      tpu.enqueue_dma source(%dma_start3A_1170 : memref<128x128xf32, #tpu.memory_space<vmem>>) target(%dma_start3A_1166 : memref<128x128xf32, #tpu.memory_space<hbm>>) target_semaphore(%arg14 : memref<!tpu.dma_semaphore, #tpu.memory_space<semaphore_mem>>)
      %add3A_1171 = arith.constant 3 : i32
      %add3A_1172 = arith.addi %add3A_1060, %add3A_1171 : i32
      %sub3A_1173 = arith.constant 5 : i32
      %sub3A_1174 = arith.subi %add3A_1172, %sub3A_1173 : i32
      %jit3A_1175 = arith.constant 4 : i32
      %div3A_1176 = arith.divsi %sub3A_1174, %jit3A_1175 : i32
      %sign3A_1177 = arith.constant 0 : i32
      %sign3A_1178 = arith.cmpi sgt, %sub3A_1174, %sign3A_1177 : i32
      %sign3A_1179 = arith.extui %sign3A_1178 : i1 to i32
      %sign3A_1180 = arith.constant 0 : i32
      %sign3A_1181 = arith.cmpi slt, %sub3A_1174, %sign3A_1180 : i32
      %sign3A_1182 = arith.extui %sign3A_1181 : i1 to i32
      %sign3A_1183 = arith.subi %sign3A_1179, %sign3A_1182 : i32
      %sign3A_1184 = arith.constant 0 : i32
      %sign3A_1185 = arith.cmpi sgt, %jit3A_1175, %sign3A_1184 : i32
      %sign3A_1186 = arith.extui %sign3A_1185 : i1 to i32
      %sign3A_1187 = arith.constant 0 : i32
      %sign3A_1188 = arith.cmpi slt, %jit3A_1175, %sign3A_1187 : i32
      %sign3A_1189 = arith.extui %sign3A_1188 : i1 to i32
      %sign3A_1190 = arith.subi %sign3A_1186, %sign3A_1189 : i32
      %ne3A_1191 = arith.cmpi ne, %sign3A_1183, %sign3A_1190 : i32
      %rem3A_1192 = arith.remsi %sub3A_1174, %jit3A_1175 : i32
      %ne3A_1193 = arith.constant 0 : i32
      %ne3A_1194 = arith.cmpi ne, %rem3A_1192, %ne3A_1193 : i32
      %and3A_1195 = arith.andi %ne3A_1191, %ne3A_1194 : i1
      %sub3A_1196 = arith.constant 1 : i32
      %sub3A_1197 = arith.subi %div3A_1176, %sub3A_1196 : i32
      %select_n3A_1198 = arith.select %and3A_1195, %sub3A_1197, %div3A_1176 : i32
      %jit3A_1199 = arith.constant 4 : i32
      %eq3A_1200 = arith.constant 0 : i32
      %eq3A_1201 = arith.cmpi eq, %jit3A_1199, %eq3A_1200 : i32
      %jit3A_1202 = arith.constant 1 : i32
      %select_n3A_1203 = arith.select %eq3A_1201, %jit3A_1202, %jit3A_1199 : i32
      %rem3A_1204 = arith.remsi %sub3A_1174, %select_n3A_1203 : i32
      %ne3A_1205 = arith.constant 0 : i32
      %ne3A_1206 = arith.cmpi ne, %rem3A_1204, %ne3A_1205 : i32
      %lt3A_1207 = arith.constant 0 : i32
      %lt3A_1208 = arith.cmpi slt, %rem3A_1204, %lt3A_1207 : i32
      %lt3A_1209 = arith.constant 0 : i32
      %lt3A_1210 = arith.cmpi slt, %select_n3A_1203, %lt3A_1209 : i32
      %ne3A_1211 = arith.xori %lt3A_1208, %lt3A_1210 : i1
      %and3A_1212 = arith.andi %ne3A_1211, %ne3A_1206 : i1
      %add3A_1213 = arith.addi %rem3A_1204, %select_n3A_1203 : i32
      %select_n3A_1214 = arith.select %and3A_1212, %add3A_1213, %rem3A_1204 : i32
      %mul3A_1215 = arith.constant 128 : i32
      %mul3A_1216 = arith.muli %select_n3A_1214, %mul3A_1215 : i32
      %add3A_1217 = arith.addi %mul3A_2, %mul3A_1216 : i32
      %dma_wait3A_1218 = arith.constant 0 : i32
      %dma_wait3A_1219 = arith.constant 0 : i32
      %dma_wait3A_1220 = arith.constant 0 : i32
      %dma_wait3A_1221 = tpu.memref_slice %arg6[%dma_wait3A_1218, %dma_wait3A_1219, %dma_wait3A_1220] : memref<5x128x128xf32, #tpu.memory_space<vmem>> -> memref<1x128x128xf32, #tpu.memory_space<vmem>>
      %dma_wait3A_1222 = tpu.memref_squeeze %dma_wait3A_1221 : memref<1x128x128xf32, #tpu.memory_space<vmem>> -> memref<128x128xf32, #tpu.memory_space<vmem>>
      %dma_wait3A_1223 = arith.constant 0 : i32
      %dma_wait3A_1224 = tpu.memref_slice %arg4[%select_n3A_1198, %add3A_1217, %dma_wait3A_1223] : memref<50x16384x128xf32, #tpu.memory_space<hbm>> -> memref<1x128x128xf32, #tpu.memory_space<hbm>>
      %dma_wait3A_1225 = tpu.memref_squeeze %dma_wait3A_1224 : memref<1x128x128xf32, #tpu.memory_space<hbm>> -> memref<128x128xf32, #tpu.memory_space<hbm>>
      %dma_wait3A_1226 = arith.constant 0 : i32
      %dma_wait3A_1227 = tpu.memref_slice %arg4[%select_n3A_1198, %add3A_1217, %dma_wait3A_1226] : memref<50x16384x128xf32, #tpu.memory_space<hbm>> -> memref<1x128x128xf32, #tpu.memory_space<hbm>>
      %dma_wait3A_1228 = tpu.memref_squeeze %dma_wait3A_1227 : memref<1x128x128xf32, #tpu.memory_space<hbm>> -> memref<128x128xf32, #tpu.memory_space<hbm>>
      %dma_wait3A_1229 = arith.constant 0 : i32
      %dma_wait3A_1230 = arith.constant 0 : i32
      %dma_wait3A_1231 = tpu.memref_slice %arg6[%dma_wait3A_1218, %dma_wait3A_1229, %dma_wait3A_1230] : memref<5x128x128xf32, #tpu.memory_space<vmem>> -> memref<1x128x128xf32, #tpu.memory_space<vmem>>
      %dma_wait3A_1232 = tpu.memref_squeeze %dma_wait3A_1231 : memref<1x128x128xf32, #tpu.memory_space<vmem>> -> memref<128x128xf32, #tpu.memory_space<vmem>>
      tpu.wait_dma2 semaphore(%arg12 : memref<!tpu.dma_semaphore, #tpu.memory_space<semaphore_mem>>) src(%dma_wait3A_1232 : memref<128x128xf32, #tpu.memory_space<vmem>>) dst(%dma_wait3A_1228 : memref<128x128xf32, #tpu.memory_space<hbm>>)
      %add3A_1233 = arith.constant 3 : i32
      %add3A_1234 = arith.addi %add3A_1060, %add3A_1233 : i32
      %jit3A_1235 = arith.constant 4 : i32
      %div3A_1236 = arith.divsi %add3A_1234, %jit3A_1235 : i32
      %sign3A_1237 = arith.constant 0 : i32
      %sign3A_1238 = arith.cmpi sgt, %add3A_1234, %sign3A_1237 : i32
      %sign3A_1239 = arith.extui %sign3A_1238 : i1 to i32
      %sign3A_1240 = arith.constant 0 : i32
      %sign3A_1241 = arith.cmpi slt, %add3A_1234, %sign3A_1240 : i32
      %sign3A_1242 = arith.extui %sign3A_1241 : i1 to i32
      %sign3A_1243 = arith.subi %sign3A_1239, %sign3A_1242 : i32
      %sign3A_1244 = arith.constant 0 : i32
      %sign3A_1245 = arith.cmpi sgt, %jit3A_1235, %sign3A_1244 : i32
      %sign3A_1246 = arith.extui %sign3A_1245 : i1 to i32
      %sign3A_1247 = arith.constant 0 : i32
      %sign3A_1248 = arith.cmpi slt, %jit3A_1235, %sign3A_1247 : i32
      %sign3A_1249 = arith.extui %sign3A_1248 : i1 to i32
      %sign3A_1250 = arith.subi %sign3A_1246, %sign3A_1249 : i32
      %ne3A_1251 = arith.cmpi ne, %sign3A_1243, %sign3A_1250 : i32
      %rem3A_1252 = arith.remsi %add3A_1234, %jit3A_1235 : i32
      %ne3A_1253 = arith.constant 0 : i32
      %ne3A_1254 = arith.cmpi ne, %rem3A_1252, %ne3A_1253 : i32
      %and3A_1255 = arith.andi %ne3A_1251, %ne3A_1254 : i1
      %sub3A_1256 = arith.constant 1 : i32
      %sub3A_1257 = arith.subi %div3A_1236, %sub3A_1256 : i32
      %select_n3A_1258 = arith.select %and3A_1255, %sub3A_1257, %div3A_1236 : i32
      %jit3A_1259 = arith.constant 4 : i32
      %eq3A_1260 = arith.constant 0 : i32
      %eq3A_1261 = arith.cmpi eq, %jit3A_1259, %eq3A_1260 : i32
      %jit3A_1262 = arith.constant 1 : i32
      %select_n3A_1263 = arith.select %eq3A_1261, %jit3A_1262, %jit3A_1259 : i32
      %rem3A_1264 = arith.remsi %add3A_1234, %select_n3A_1263 : i32
      %ne3A_1265 = arith.constant 0 : i32
      %ne3A_1266 = arith.cmpi ne, %rem3A_1264, %ne3A_1265 : i32
      %lt3A_1267 = arith.constant 0 : i32
      %lt3A_1268 = arith.cmpi slt, %rem3A_1264, %lt3A_1267 : i32
      %lt3A_1269 = arith.constant 0 : i32
      %lt3A_1270 = arith.cmpi slt, %select_n3A_1263, %lt3A_1269 : i32
      %ne3A_1271 = arith.xori %lt3A_1268, %lt3A_1270 : i1
      %and3A_1272 = arith.andi %ne3A_1271, %ne3A_1266 : i1
      %add3A_1273 = arith.addi %rem3A_1264, %select_n3A_1263 : i32
      %select_n3A_1274 = arith.select %and3A_1272, %add3A_1273, %rem3A_1264 : i32
      %mul3A_1275 = arith.constant 128 : i32
      %mul3A_1276 = arith.muli %select_n3A_1274, %mul3A_1275 : i32
      %dma_start3A_1277 = arith.constant 0 : i32
      %dma_start3A_1278 = arith.constant 0 : i32
      %dma_start3A_1279 = arith.constant 0 : i32
      %dma_start3A_1280 = tpu.memref_slice %arg6[%dma_start3A_1277, %dma_start3A_1278, %dma_start3A_1279] : memref<5x128x128xf32, #tpu.memory_space<vmem>> -> memref<1x128x128xf32, #tpu.memory_space<vmem>>
      %dma_start3A_1281 = tpu.memref_squeeze %dma_start3A_1280 : memref<1x128x128xf32, #tpu.memory_space<vmem>> -> memref<128x128xf32, #tpu.memory_space<vmem>>
      %dma_start3A_1282 = tpu.memref_slice %arg5[%select_n3A_1258, %mul3A_1276] : memref<50x512xi32, #tpu.memory_space<vmem>> -> memref<1x128xi32, #tpu.memory_space<vmem>>
      %dma_start3A_1283 = tpu.memref_squeeze %dma_start3A_1282 : memref<1x128xi32, #tpu.memory_space<vmem>> -> memref<128xi32, #tpu.memory_space<vmem>>
      %dma_start3A_1284 = arith.constant 0 : i32
      %dma_start3A_1285 = arith.constant 0 : i32
      %dma_start3A_1286 = tpu.memref_slice %arg3[%dma_start3A_1284, %dma_start3A_1285] : memref<100000x128xf32, #tpu.memory_space<hbm>> -> memref<100000x128xf32, #tpu.memory_space<hbm>>
      tpu.enqueue_indirect_dma source(%dma_start3A_1286 : memref<100000x128xf32, #tpu.memory_space<hbm>>) target(%dma_start3A_1281 : memref<128x128xf32, #tpu.memory_space<vmem>>) offsets(%dma_start3A_1283 : memref<128xi32, #tpu.memory_space<vmem>>) semaphore(%arg7 : memref<!tpu.dma_semaphore, #tpu.memory_space<semaphore_mem>>)
      %mul3A_1287 = arith.constant 5 : i32
      %mul3A_1288 = arith.muli %mul3A_1287, %scan3A_606 : i32
      %add3A_1289 = arith.constant 3 : i32
      %add3A_1290 = arith.addi %mul3A_1288, %add3A_1289 : i32
      %jit3A_1291 = arith.constant 4 : i32
      %div3A_1292 = arith.divsi %add3A_1290, %jit3A_1291 : i32
      %sign3A_1293 = arith.constant 0 : i32
      %sign3A_1294 = arith.cmpi sgt, %add3A_1290, %sign3A_1293 : i32
      %sign3A_1295 = arith.extui %sign3A_1294 : i1 to i32
      %sign3A_1296 = arith.constant 0 : i32
      %sign3A_1297 = arith.cmpi slt, %add3A_1290, %sign3A_1296 : i32
      %sign3A_1298 = arith.extui %sign3A_1297 : i1 to i32
      %sign3A_1299 = arith.subi %sign3A_1295, %sign3A_1298 : i32
      %sign3A_1300 = arith.constant 0 : i32
      %sign3A_1301 = arith.cmpi sgt, %jit3A_1291, %sign3A_1300 : i32
      %sign3A_1302 = arith.extui %sign3A_1301 : i1 to i32
      %sign3A_1303 = arith.constant 0 : i32
      %sign3A_1304 = arith.cmpi slt, %jit3A_1291, %sign3A_1303 : i32
      %sign3A_1305 = arith.extui %sign3A_1304 : i1 to i32
      %sign3A_1306 = arith.subi %sign3A_1302, %sign3A_1305 : i32
      %ne3A_1307 = arith.cmpi ne, %sign3A_1299, %sign3A_1306 : i32
      %rem3A_1308 = arith.remsi %add3A_1290, %jit3A_1291 : i32
      %ne3A_1309 = arith.constant 0 : i32
      %ne3A_1310 = arith.cmpi ne, %rem3A_1308, %ne3A_1309 : i32
      %and3A_1311 = arith.andi %ne3A_1307, %ne3A_1310 : i1
      %sub3A_1312 = arith.constant 1 : i32
      %sub3A_1313 = arith.subi %div3A_1292, %sub3A_1312 : i32
      %select_n3A_1314 = arith.select %and3A_1311, %sub3A_1313, %div3A_1292 : i32
      %jit3A_1315 = arith.constant 4 : i32
      %eq3A_1316 = arith.constant 0 : i32
      %eq3A_1317 = arith.cmpi eq, %jit3A_1315, %eq3A_1316 : i32
      %jit3A_1318 = arith.constant 1 : i32
      %select_n3A_1319 = arith.select %eq3A_1317, %jit3A_1318, %jit3A_1315 : i32
      %rem3A_1320 = arith.remsi %add3A_1290, %select_n3A_1319 : i32
      %ne3A_1321 = arith.constant 0 : i32
      %ne3A_1322 = arith.cmpi ne, %rem3A_1320, %ne3A_1321 : i32
      %lt3A_1323 = arith.constant 0 : i32
      %lt3A_1324 = arith.cmpi slt, %rem3A_1320, %lt3A_1323 : i32
      %lt3A_1325 = arith.constant 0 : i32
      %lt3A_1326 = arith.cmpi slt, %select_n3A_1319, %lt3A_1325 : i32
      %ne3A_1327 = arith.xori %lt3A_1324, %lt3A_1326 : i1
      %and3A_1328 = arith.andi %ne3A_1327, %ne3A_1322 : i1
      %add3A_1329 = arith.addi %rem3A_1320, %select_n3A_1319 : i32
      %select_n3A_1330 = arith.select %and3A_1328, %add3A_1329, %rem3A_1320 : i32
      %mul3A_1331 = arith.constant 128 : i32
      %mul3A_1332 = arith.muli %select_n3A_1330, %mul3A_1331 : i32
      %dma_wait3A_1333 = arith.constant 3 : i32
      %dma_wait3A_1334 = arith.constant 0 : i32
      %dma_wait3A_1335 = arith.constant 0 : i32
      %dma_wait3A_1336 = tpu.memref_slice %arg6[%dma_wait3A_1333, %dma_wait3A_1334, %dma_wait3A_1335] : memref<5x128x128xf32, #tpu.memory_space<vmem>> -> memref<1x128x128xf32, #tpu.memory_space<vmem>>
      %dma_wait3A_1337 = tpu.memref_squeeze %dma_wait3A_1336 : memref<1x128x128xf32, #tpu.memory_space<vmem>> -> memref<128x128xf32, #tpu.memory_space<vmem>>
      %dma_wait3A_1338 = tpu.memref_slice %arg5[%select_n3A_1314, %mul3A_1332] : memref<50x512xi32, #tpu.memory_space<vmem>> -> memref<1x128xi32, #tpu.memory_space<vmem>>
      %dma_wait3A_1339 = tpu.memref_squeeze %dma_wait3A_1338 : memref<1x128xi32, #tpu.memory_space<vmem>> -> memref<128xi32, #tpu.memory_space<vmem>>
      %dma_wait3A_1340 = arith.constant 0 : i32
      %dma_wait3A_1341 = arith.constant 0 : i32
      %dma_wait3A_1342 = tpu.memref_slice %arg3[%dma_wait3A_1340, %dma_wait3A_1341] : memref<100000x128xf32, #tpu.memory_space<hbm>> -> memref<100000x128xf32, #tpu.memory_space<hbm>>
      tpu.wait_indirect_dma semaphore(%arg10 : memref<!tpu.dma_semaphore, #tpu.memory_space<semaphore_mem>>) src(%dma_wait3A_1342 : memref<100000x128xf32, #tpu.memory_space<hbm>>) dst(%dma_wait3A_1337 : memref<128x128xf32, #tpu.memory_space<vmem>>)
      %jit3A_1343 = arith.constant 4 : i32
      %div3A_1344 = arith.divsi %add3A_1290, %jit3A_1343 : i32
      %sign3A_1345 = arith.constant 0 : i32
      %sign3A_1346 = arith.cmpi sgt, %add3A_1290, %sign3A_1345 : i32
      %sign3A_1347 = arith.extui %sign3A_1346 : i1 to i32
      %sign3A_1348 = arith.constant 0 : i32
      %sign3A_1349 = arith.cmpi slt, %add3A_1290, %sign3A_1348 : i32
      %sign3A_1350 = arith.extui %sign3A_1349 : i1 to i32
      %sign3A_1351 = arith.subi %sign3A_1347, %sign3A_1350 : i32
      %sign3A_1352 = arith.constant 0 : i32
      %sign3A_1353 = arith.cmpi sgt, %jit3A_1343, %sign3A_1352 : i32
      %sign3A_1354 = arith.extui %sign3A_1353 : i1 to i32
      %sign3A_1355 = arith.constant 0 : i32
      %sign3A_1356 = arith.cmpi slt, %jit3A_1343, %sign3A_1355 : i32
      %sign3A_1357 = arith.extui %sign3A_1356 : i1 to i32
      %sign3A_1358 = arith.subi %sign3A_1354, %sign3A_1357 : i32
      %ne3A_1359 = arith.cmpi ne, %sign3A_1351, %sign3A_1358 : i32
      %rem3A_1360 = arith.remsi %add3A_1290, %jit3A_1343 : i32
      %ne3A_1361 = arith.constant 0 : i32
      %ne3A_1362 = arith.cmpi ne, %rem3A_1360, %ne3A_1361 : i32
      %and3A_1363 = arith.andi %ne3A_1359, %ne3A_1362 : i1
      %sub3A_1364 = arith.constant 1 : i32
      %sub3A_1365 = arith.subi %div3A_1344, %sub3A_1364 : i32
      %select_n3A_1366 = arith.select %and3A_1363, %sub3A_1365, %div3A_1344 : i32
      %jit3A_1367 = arith.constant 4 : i32
      %eq3A_1368 = arith.constant 0 : i32
      %eq3A_1369 = arith.cmpi eq, %jit3A_1367, %eq3A_1368 : i32
      %jit3A_1370 = arith.constant 1 : i32
      %select_n3A_1371 = arith.select %eq3A_1369, %jit3A_1370, %jit3A_1367 : i32
      %rem3A_1372 = arith.remsi %add3A_1290, %select_n3A_1371 : i32
      %ne3A_1373 = arith.constant 0 : i32
      %ne3A_1374 = arith.cmpi ne, %rem3A_1372, %ne3A_1373 : i32
      %lt3A_1375 = arith.constant 0 : i32
      %lt3A_1376 = arith.cmpi slt, %rem3A_1372, %lt3A_1375 : i32
      %lt3A_1377 = arith.constant 0 : i32
      %lt3A_1378 = arith.cmpi slt, %select_n3A_1371, %lt3A_1377 : i32
      %ne3A_1379 = arith.xori %lt3A_1376, %lt3A_1378 : i1
      %and3A_1380 = arith.andi %ne3A_1379, %ne3A_1374 : i1
      %add3A_1381 = arith.addi %rem3A_1372, %select_n3A_1371 : i32
      %select_n3A_1382 = arith.select %and3A_1380, %add3A_1381, %rem3A_1372 : i32
      %mul3A_1383 = arith.constant 128 : i32
      %mul3A_1384 = arith.muli %select_n3A_1382, %mul3A_1383 : i32
      %add3A_1385 = arith.addi %mul3A_2, %mul3A_1384 : i32
      %dma_start3A_1386 = arith.constant 3 : i32
      %dma_start3A_1387 = arith.constant 0 : i32
      %dma_start3A_1388 = arith.constant 0 : i32
      %dma_start3A_1389 = tpu.memref_slice %arg6[%dma_start3A_1386, %dma_start3A_1387, %dma_start3A_1388] : memref<5x128x128xf32, #tpu.memory_space<vmem>> -> memref<1x128x128xf32, #tpu.memory_space<vmem>>
      %dma_start3A_1390 = tpu.memref_squeeze %dma_start3A_1389 : memref<1x128x128xf32, #tpu.memory_space<vmem>> -> memref<128x128xf32, #tpu.memory_space<vmem>>
      %dma_start3A_1391 = arith.constant 0 : i32
      %dma_start3A_1392 = tpu.memref_slice %arg4[%select_n3A_1366, %add3A_1385, %dma_start3A_1391] : memref<50x16384x128xf32, #tpu.memory_space<hbm>> -> memref<1x128x128xf32, #tpu.memory_space<hbm>>
      %dma_start3A_1393 = tpu.memref_squeeze %dma_start3A_1392 : memref<1x128x128xf32, #tpu.memory_space<hbm>> -> memref<128x128xf32, #tpu.memory_space<hbm>>
      %dma_start3A_1394 = arith.constant 0 : i32
      %dma_start3A_1395 = tpu.memref_slice %arg4[%select_n3A_1366, %add3A_1385, %dma_start3A_1394] : memref<50x16384x128xf32, #tpu.memory_space<hbm>> -> memref<1x128x128xf32, #tpu.memory_space<hbm>>
      %dma_start3A_1396 = tpu.memref_squeeze %dma_start3A_1395 : memref<1x128x128xf32, #tpu.memory_space<hbm>> -> memref<128x128xf32, #tpu.memory_space<hbm>>
      %dma_start3A_1397 = arith.constant 0 : i32
      %dma_start3A_1398 = arith.constant 0 : i32
      %dma_start3A_1399 = tpu.memref_slice %arg6[%dma_start3A_1386, %dma_start3A_1397, %dma_start3A_1398] : memref<5x128x128xf32, #tpu.memory_space<vmem>> -> memref<1x128x128xf32, #tpu.memory_space<vmem>>
      %dma_start3A_1400 = tpu.memref_squeeze %dma_start3A_1399 : memref<1x128x128xf32, #tpu.memory_space<vmem>> -> memref<128x128xf32, #tpu.memory_space<vmem>>
      tpu.enqueue_dma source(%dma_start3A_1400 : memref<128x128xf32, #tpu.memory_space<vmem>>) target(%dma_start3A_1396 : memref<128x128xf32, #tpu.memory_space<hbm>>) target_semaphore(%arg15 : memref<!tpu.dma_semaphore, #tpu.memory_space<semaphore_mem>>)
      %add3A_1401 = arith.constant 3 : i32
      %add3A_1402 = arith.addi %add3A_1290, %add3A_1401 : i32
      %sub3A_1403 = arith.constant 5 : i32
      %sub3A_1404 = arith.subi %add3A_1402, %sub3A_1403 : i32
      %jit3A_1405 = arith.constant 4 : i32
      %div3A_1406 = arith.divsi %sub3A_1404, %jit3A_1405 : i32
      %sign3A_1407 = arith.constant 0 : i32
      %sign3A_1408 = arith.cmpi sgt, %sub3A_1404, %sign3A_1407 : i32
      %sign3A_1409 = arith.extui %sign3A_1408 : i1 to i32
      %sign3A_1410 = arith.constant 0 : i32
      %sign3A_1411 = arith.cmpi slt, %sub3A_1404, %sign3A_1410 : i32
      %sign3A_1412 = arith.extui %sign3A_1411 : i1 to i32
      %sign3A_1413 = arith.subi %sign3A_1409, %sign3A_1412 : i32
      %sign3A_1414 = arith.constant 0 : i32
      %sign3A_1415 = arith.cmpi sgt, %jit3A_1405, %sign3A_1414 : i32
      %sign3A_1416 = arith.extui %sign3A_1415 : i1 to i32
      %sign3A_1417 = arith.constant 0 : i32
      %sign3A_1418 = arith.cmpi slt, %jit3A_1405, %sign3A_1417 : i32
      %sign3A_1419 = arith.extui %sign3A_1418 : i1 to i32
      %sign3A_1420 = arith.subi %sign3A_1416, %sign3A_1419 : i32
      %ne3A_1421 = arith.cmpi ne, %sign3A_1413, %sign3A_1420 : i32
      %rem3A_1422 = arith.remsi %sub3A_1404, %jit3A_1405 : i32
      %ne3A_1423 = arith.constant 0 : i32
      %ne3A_1424 = arith.cmpi ne, %rem3A_1422, %ne3A_1423 : i32
      %and3A_1425 = arith.andi %ne3A_1421, %ne3A_1424 : i1
      %sub3A_1426 = arith.constant 1 : i32
      %sub3A_1427 = arith.subi %div3A_1406, %sub3A_1426 : i32
      %select_n3A_1428 = arith.select %and3A_1425, %sub3A_1427, %div3A_1406 : i32
      %jit3A_1429 = arith.constant 4 : i32
      %eq3A_1430 = arith.constant 0 : i32
      %eq3A_1431 = arith.cmpi eq, %jit3A_1429, %eq3A_1430 : i32
      %jit3A_1432 = arith.constant 1 : i32
      %select_n3A_1433 = arith.select %eq3A_1431, %jit3A_1432, %jit3A_1429 : i32
      %rem3A_1434 = arith.remsi %sub3A_1404, %select_n3A_1433 : i32
      %ne3A_1435 = arith.constant 0 : i32
      %ne3A_1436 = arith.cmpi ne, %rem3A_1434, %ne3A_1435 : i32
      %lt3A_1437 = arith.constant 0 : i32
      %lt3A_1438 = arith.cmpi slt, %rem3A_1434, %lt3A_1437 : i32
      %lt3A_1439 = arith.constant 0 : i32
      %lt3A_1440 = arith.cmpi slt, %select_n3A_1433, %lt3A_1439 : i32
      %ne3A_1441 = arith.xori %lt3A_1438, %lt3A_1440 : i1
      %and3A_1442 = arith.andi %ne3A_1441, %ne3A_1436 : i1
      %add3A_1443 = arith.addi %rem3A_1434, %select_n3A_1433 : i32
      %select_n3A_1444 = arith.select %and3A_1442, %add3A_1443, %rem3A_1434 : i32
      %mul3A_1445 = arith.constant 128 : i32
      %mul3A_1446 = arith.muli %select_n3A_1444, %mul3A_1445 : i32
      %add3A_1447 = arith.addi %mul3A_2, %mul3A_1446 : i32
      %dma_wait3A_1448 = arith.constant 1 : i32
      %dma_wait3A_1449 = arith.constant 0 : i32
      %dma_wait3A_1450 = arith.constant 0 : i32
      %dma_wait3A_1451 = tpu.memref_slice %arg6[%dma_wait3A_1448, %dma_wait3A_1449, %dma_wait3A_1450] : memref<5x128x128xf32, #tpu.memory_space<vmem>> -> memref<1x128x128xf32, #tpu.memory_space<vmem>>
      %dma_wait3A_1452 = tpu.memref_squeeze %dma_wait3A_1451 : memref<1x128x128xf32, #tpu.memory_space<vmem>> -> memref<128x128xf32, #tpu.memory_space<vmem>>
      %dma_wait3A_1453 = arith.constant 0 : i32
      %dma_wait3A_1454 = tpu.memref_slice %arg4[%select_n3A_1428, %add3A_1447, %dma_wait3A_1453] : memref<50x16384x128xf32, #tpu.memory_space<hbm>> -> memref<1x128x128xf32, #tpu.memory_space<hbm>>
      %dma_wait3A_1455 = tpu.memref_squeeze %dma_wait3A_1454 : memref<1x128x128xf32, #tpu.memory_space<hbm>> -> memref<128x128xf32, #tpu.memory_space<hbm>>
      %dma_wait3A_1456 = arith.constant 0 : i32
      %dma_wait3A_1457 = tpu.memref_slice %arg4[%select_n3A_1428, %add3A_1447, %dma_wait3A_1456] : memref<50x16384x128xf32, #tpu.memory_space<hbm>> -> memref<1x128x128xf32, #tpu.memory_space<hbm>>
      %dma_wait3A_1458 = tpu.memref_squeeze %dma_wait3A_1457 : memref<1x128x128xf32, #tpu.memory_space<hbm>> -> memref<128x128xf32, #tpu.memory_space<hbm>>
      %dma_wait3A_1459 = arith.constant 0 : i32
      %dma_wait3A_1460 = arith.constant 0 : i32
      %dma_wait3A_1461 = tpu.memref_slice %arg6[%dma_wait3A_1448, %dma_wait3A_1459, %dma_wait3A_1460] : memref<5x128x128xf32, #tpu.memory_space<vmem>> -> memref<1x128x128xf32, #tpu.memory_space<vmem>>
      %dma_wait3A_1462 = tpu.memref_squeeze %dma_wait3A_1461 : memref<1x128x128xf32, #tpu.memory_space<vmem>> -> memref<128x128xf32, #tpu.memory_space<vmem>>
      tpu.wait_dma2 semaphore(%arg13 : memref<!tpu.dma_semaphore, #tpu.memory_space<semaphore_mem>>) src(%dma_wait3A_1462 : memref<128x128xf32, #tpu.memory_space<vmem>>) dst(%dma_wait3A_1458 : memref<128x128xf32, #tpu.memory_space<hbm>>)
      %add3A_1463 = arith.constant 3 : i32
      %add3A_1464 = arith.addi %add3A_1290, %add3A_1463 : i32
      %jit3A_1465 = arith.constant 4 : i32
      %div3A_1466 = arith.divsi %add3A_1464, %jit3A_1465 : i32
      %sign3A_1467 = arith.constant 0 : i32
      %sign3A_1468 = arith.cmpi sgt, %add3A_1464, %sign3A_1467 : i32
      %sign3A_1469 = arith.extui %sign3A_1468 : i1 to i32
      %sign3A_1470 = arith.constant 0 : i32
      %sign3A_1471 = arith.cmpi slt, %add3A_1464, %sign3A_1470 : i32
      %sign3A_1472 = arith.extui %sign3A_1471 : i1 to i32
      %sign3A_1473 = arith.subi %sign3A_1469, %sign3A_1472 : i32
      %sign3A_1474 = arith.constant 0 : i32
      %sign3A_1475 = arith.cmpi sgt, %jit3A_1465, %sign3A_1474 : i32
      %sign3A_1476 = arith.extui %sign3A_1475 : i1 to i32
      %sign3A_1477 = arith.constant 0 : i32
      %sign3A_1478 = arith.cmpi slt, %jit3A_1465, %sign3A_1477 : i32
      %sign3A_1479 = arith.extui %sign3A_1478 : i1 to i32
      %sign3A_1480 = arith.subi %sign3A_1476, %sign3A_1479 : i32
      %ne3A_1481 = arith.cmpi ne, %sign3A_1473, %sign3A_1480 : i32
      %rem3A_1482 = arith.remsi %add3A_1464, %jit3A_1465 : i32
      %ne3A_1483 = arith.constant 0 : i32
      %ne3A_1484 = arith.cmpi ne, %rem3A_1482, %ne3A_1483 : i32
      %and3A_1485 = arith.andi %ne3A_1481, %ne3A_1484 : i1
      %sub3A_1486 = arith.constant 1 : i32
      %sub3A_1487 = arith.subi %div3A_1466, %sub3A_1486 : i32
      %select_n3A_1488 = arith.select %and3A_1485, %sub3A_1487, %div3A_1466 : i32
      %jit3A_1489 = arith.constant 4 : i32
      %eq3A_1490 = arith.constant 0 : i32
      %eq3A_1491 = arith.cmpi eq, %jit3A_1489, %eq3A_1490 : i32
      %jit3A_1492 = arith.constant 1 : i32
      %select_n3A_1493 = arith.select %eq3A_1491, %jit3A_1492, %jit3A_1489 : i32
      %rem3A_1494 = arith.remsi %add3A_1464, %select_n3A_1493 : i32
      %ne3A_1495 = arith.constant 0 : i32
      %ne3A_1496 = arith.cmpi ne, %rem3A_1494, %ne3A_1495 : i32
      %lt3A_1497 = arith.constant 0 : i32
      %lt3A_1498 = arith.cmpi slt, %rem3A_1494, %lt3A_1497 : i32
      %lt3A_1499 = arith.constant 0 : i32
      %lt3A_1500 = arith.cmpi slt, %select_n3A_1493, %lt3A_1499 : i32
      %ne3A_1501 = arith.xori %lt3A_1498, %lt3A_1500 : i1
      %and3A_1502 = arith.andi %ne3A_1501, %ne3A_1496 : i1
      %add3A_1503 = arith.addi %rem3A_1494, %select_n3A_1493 : i32
      %select_n3A_1504 = arith.select %and3A_1502, %add3A_1503, %rem3A_1494 : i32
      %mul3A_1505 = arith.constant 128 : i32
      %mul3A_1506 = arith.muli %select_n3A_1504, %mul3A_1505 : i32
      %dma_start3A_1507 = arith.constant 1 : i32
      %dma_start3A_1508 = arith.constant 0 : i32
      %dma_start3A_1509 = arith.constant 0 : i32
      %dma_start3A_1510 = tpu.memref_slice %arg6[%dma_start3A_1507, %dma_start3A_1508, %dma_start3A_1509] : memref<5x128x128xf32, #tpu.memory_space<vmem>> -> memref<1x128x128xf32, #tpu.memory_space<vmem>>
      %dma_start3A_1511 = tpu.memref_squeeze %dma_start3A_1510 : memref<1x128x128xf32, #tpu.memory_space<vmem>> -> memref<128x128xf32, #tpu.memory_space<vmem>>
      %dma_start3A_1512 = tpu.memref_slice %arg5[%select_n3A_1488, %mul3A_1506] : memref<50x512xi32, #tpu.memory_space<vmem>> -> memref<1x128xi32, #tpu.memory_space<vmem>>
      %dma_start3A_1513 = tpu.memref_squeeze %dma_start3A_1512 : memref<1x128xi32, #tpu.memory_space<vmem>> -> memref<128xi32, #tpu.memory_space<vmem>>
      %dma_start3A_1514 = arith.constant 0 : i32
      %dma_start3A_1515 = arith.constant 0 : i32
      %dma_start3A_1516 = tpu.memref_slice %arg3[%dma_start3A_1514, %dma_start3A_1515] : memref<100000x128xf32, #tpu.memory_space<hbm>> -> memref<100000x128xf32, #tpu.memory_space<hbm>>
      tpu.enqueue_indirect_dma source(%dma_start3A_1516 : memref<100000x128xf32, #tpu.memory_space<hbm>>) target(%dma_start3A_1511 : memref<128x128xf32, #tpu.memory_space<vmem>>) offsets(%dma_start3A_1513 : memref<128xi32, #tpu.memory_space<vmem>>) semaphore(%arg8 : memref<!tpu.dma_semaphore, #tpu.memory_space<semaphore_mem>>)
      %mul3A_1517 = arith.constant 5 : i32
      %mul3A_1518 = arith.muli %mul3A_1517, %scan3A_606 : i32
      %add3A_1519 = arith.constant 4 : i32
      %add3A_1520 = arith.addi %mul3A_1518, %add3A_1519 : i32
      %jit3A_1521 = arith.constant 4 : i32
      %div3A_1522 = arith.divsi %add3A_1520, %jit3A_1521 : i32
      %sign3A_1523 = arith.constant 0 : i32
      %sign3A_1524 = arith.cmpi sgt, %add3A_1520, %sign3A_1523 : i32
      %sign3A_1525 = arith.extui %sign3A_1524 : i1 to i32
      %sign3A_1526 = arith.constant 0 : i32
      %sign3A_1527 = arith.cmpi slt, %add3A_1520, %sign3A_1526 : i32
      %sign3A_1528 = arith.extui %sign3A_1527 : i1 to i32
      %sign3A_1529 = arith.subi %sign3A_1525, %sign3A_1528 : i32
      %sign3A_1530 = arith.constant 0 : i32
      %sign3A_1531 = arith.cmpi sgt, %jit3A_1521, %sign3A_1530 : i32
      %sign3A_1532 = arith.extui %sign3A_1531 : i1 to i32
      %sign3A_1533 = arith.constant 0 : i32
      %sign3A_1534 = arith.cmpi slt, %jit3A_1521, %sign3A_1533 : i32
      %sign3A_1535 = arith.extui %sign3A_1534 : i1 to i32
      %sign3A_1536 = arith.subi %sign3A_1532, %sign3A_1535 : i32
      %ne3A_1537 = arith.cmpi ne, %sign3A_1529, %sign3A_1536 : i32
      %rem3A_1538 = arith.remsi %add3A_1520, %jit3A_1521 : i32
      %ne3A_1539 = arith.constant 0 : i32
      %ne3A_1540 = arith.cmpi ne, %rem3A_1538, %ne3A_1539 : i32
      %and3A_1541 = arith.andi %ne3A_1537, %ne3A_1540 : i1
      %sub3A_1542 = arith.constant 1 : i32
      %sub3A_1543 = arith.subi %div3A_1522, %sub3A_1542 : i32
      %select_n3A_1544 = arith.select %and3A_1541, %sub3A_1543, %div3A_1522 : i32
      %jit3A_1545 = arith.constant 4 : i32
      %eq3A_1546 = arith.constant 0 : i32
      %eq3A_1547 = arith.cmpi eq, %jit3A_1545, %eq3A_1546 : i32
      %jit3A_1548 = arith.constant 1 : i32
      %select_n3A_1549 = arith.select %eq3A_1547, %jit3A_1548, %jit3A_1545 : i32
      %rem3A_1550 = arith.remsi %add3A_1520, %select_n3A_1549 : i32
      %ne3A_1551 = arith.constant 0 : i32
      %ne3A_1552 = arith.cmpi ne, %rem3A_1550, %ne3A_1551 : i32
      %lt3A_1553 = arith.constant 0 : i32
      %lt3A_1554 = arith.cmpi slt, %rem3A_1550, %lt3A_1553 : i32
      %lt3A_1555 = arith.constant 0 : i32
      %lt3A_1556 = arith.cmpi slt, %select_n3A_1549, %lt3A_1555 : i32
      %ne3A_1557 = arith.xori %lt3A_1554, %lt3A_1556 : i1
      %and3A_1558 = arith.andi %ne3A_1557, %ne3A_1552 : i1
      %add3A_1559 = arith.addi %rem3A_1550, %select_n3A_1549 : i32
      %select_n3A_1560 = arith.select %and3A_1558, %add3A_1559, %rem3A_1550 : i32
      %mul3A_1561 = arith.constant 128 : i32
      %mul3A_1562 = arith.muli %select_n3A_1560, %mul3A_1561 : i32
      %dma_wait3A_1563 = arith.constant 4 : i32
      %dma_wait3A_1564 = arith.constant 0 : i32
      %dma_wait3A_1565 = arith.constant 0 : i32
      %dma_wait3A_1566 = tpu.memref_slice %arg6[%dma_wait3A_1563, %dma_wait3A_1564, %dma_wait3A_1565] : memref<5x128x128xf32, #tpu.memory_space<vmem>> -> memref<1x128x128xf32, #tpu.memory_space<vmem>>
      %dma_wait3A_1567 = tpu.memref_squeeze %dma_wait3A_1566 : memref<1x128x128xf32, #tpu.memory_space<vmem>> -> memref<128x128xf32, #tpu.memory_space<vmem>>
      %dma_wait3A_1568 = tpu.memref_slice %arg5[%select_n3A_1544, %mul3A_1562] : memref<50x512xi32, #tpu.memory_space<vmem>> -> memref<1x128xi32, #tpu.memory_space<vmem>>
      %dma_wait3A_1569 = tpu.memref_squeeze %dma_wait3A_1568 : memref<1x128xi32, #tpu.memory_space<vmem>> -> memref<128xi32, #tpu.memory_space<vmem>>
      %dma_wait3A_1570 = arith.constant 0 : i32
      %dma_wait3A_1571 = arith.constant 0 : i32
      %dma_wait3A_1572 = tpu.memref_slice %arg3[%dma_wait3A_1570, %dma_wait3A_1571] : memref<100000x128xf32, #tpu.memory_space<hbm>> -> memref<100000x128xf32, #tpu.memory_space<hbm>>
      tpu.wait_indirect_dma semaphore(%arg11 : memref<!tpu.dma_semaphore, #tpu.memory_space<semaphore_mem>>) src(%dma_wait3A_1572 : memref<100000x128xf32, #tpu.memory_space<hbm>>) dst(%dma_wait3A_1567 : memref<128x128xf32, #tpu.memory_space<vmem>>)
      %jit3A_1573 = arith.constant 4 : i32
      %div3A_1574 = arith.divsi %add3A_1520, %jit3A_1573 : i32
      %sign3A_1575 = arith.constant 0 : i32
      %sign3A_1576 = arith.cmpi sgt, %add3A_1520, %sign3A_1575 : i32
      %sign3A_1577 = arith.extui %sign3A_1576 : i1 to i32
      %sign3A_1578 = arith.constant 0 : i32
      %sign3A_1579 = arith.cmpi slt, %add3A_1520, %sign3A_1578 : i32
      %sign3A_1580 = arith.extui %sign3A_1579 : i1 to i32
      %sign3A_1581 = arith.subi %sign3A_1577, %sign3A_1580 : i32
      %sign3A_1582 = arith.constant 0 : i32
      %sign3A_1583 = arith.cmpi sgt, %jit3A_1573, %sign3A_1582 : i32
      %sign3A_1584 = arith.extui %sign3A_1583 : i1 to i32
      %sign3A_1585 = arith.constant 0 : i32
      %sign3A_1586 = arith.cmpi slt, %jit3A_1573, %sign3A_1585 : i32
      %sign3A_1587 = arith.extui %sign3A_1586 : i1 to i32
      %sign3A_1588 = arith.subi %sign3A_1584, %sign3A_1587 : i32
      %ne3A_1589 = arith.cmpi ne, %sign3A_1581, %sign3A_1588 : i32
      %rem3A_1590 = arith.remsi %add3A_1520, %jit3A_1573 : i32
      %ne3A_1591 = arith.constant 0 : i32
      %ne3A_1592 = arith.cmpi ne, %rem3A_1590, %ne3A_1591 : i32
      %and3A_1593 = arith.andi %ne3A_1589, %ne3A_1592 : i1
      %sub3A_1594 = arith.constant 1 : i32
      %sub3A_1595 = arith.subi %div3A_1574, %sub3A_1594 : i32
      %select_n3A_1596 = arith.select %and3A_1593, %sub3A_1595, %div3A_1574 : i32
      %jit3A_1597 = arith.constant 4 : i32
      %eq3A_1598 = arith.constant 0 : i32
      %eq3A_1599 = arith.cmpi eq, %jit3A_1597, %eq3A_1598 : i32
      %jit3A_1600 = arith.constant 1 : i32
      %select_n3A_1601 = arith.select %eq3A_1599, %jit3A_1600, %jit3A_1597 : i32
      %rem3A_1602 = arith.remsi %add3A_1520, %select_n3A_1601 : i32
      %ne3A_1603 = arith.constant 0 : i32
      %ne3A_1604 = arith.cmpi ne, %rem3A_1602, %ne3A_1603 : i32
      %lt3A_1605 = arith.constant 0 : i32
      %lt3A_1606 = arith.cmpi slt, %rem3A_1602, %lt3A_1605 : i32
      %lt3A_1607 = arith.constant 0 : i32
      %lt3A_1608 = arith.cmpi slt, %select_n3A_1601, %lt3A_1607 : i32
      %ne3A_1609 = arith.xori %lt3A_1606, %lt3A_1608 : i1
      %and3A_1610 = arith.andi %ne3A_1609, %ne3A_1604 : i1
      %add3A_1611 = arith.addi %rem3A_1602, %select_n3A_1601 : i32
      %select_n3A_1612 = arith.select %and3A_1610, %add3A_1611, %rem3A_1602 : i32
      %mul3A_1613 = arith.constant 128 : i32
      %mul3A_1614 = arith.muli %select_n3A_1612, %mul3A_1613 : i32
      %add3A_1615 = arith.addi %mul3A_2, %mul3A_1614 : i32
      %dma_start3A_1616 = arith.constant 4 : i32
      %dma_start3A_1617 = arith.constant 0 : i32
      %dma_start3A_1618 = arith.constant 0 : i32
      %dma_start3A_1619 = tpu.memref_slice %arg6[%dma_start3A_1616, %dma_start3A_1617, %dma_start3A_1618] : memref<5x128x128xf32, #tpu.memory_space<vmem>> -> memref<1x128x128xf32, #tpu.memory_space<vmem>>
      %dma_start3A_1620 = tpu.memref_squeeze %dma_start3A_1619 : memref<1x128x128xf32, #tpu.memory_space<vmem>> -> memref<128x128xf32, #tpu.memory_space<vmem>>
      %dma_start3A_1621 = arith.constant 0 : i32
      %dma_start3A_1622 = tpu.memref_slice %arg4[%select_n3A_1596, %add3A_1615, %dma_start3A_1621] : memref<50x16384x128xf32, #tpu.memory_space<hbm>> -> memref<1x128x128xf32, #tpu.memory_space<hbm>>
      %dma_start3A_1623 = tpu.memref_squeeze %dma_start3A_1622 : memref<1x128x128xf32, #tpu.memory_space<hbm>> -> memref<128x128xf32, #tpu.memory_space<hbm>>
      %dma_start3A_1624 = arith.constant 0 : i32
      %dma_start3A_1625 = tpu.memref_slice %arg4[%select_n3A_1596, %add3A_1615, %dma_start3A_1624] : memref<50x16384x128xf32, #tpu.memory_space<hbm>> -> memref<1x128x128xf32, #tpu.memory_space<hbm>>
      %dma_start3A_1626 = tpu.memref_squeeze %dma_start3A_1625 : memref<1x128x128xf32, #tpu.memory_space<hbm>> -> memref<128x128xf32, #tpu.memory_space<hbm>>
      %dma_start3A_1627 = arith.constant 0 : i32
      %dma_start3A_1628 = arith.constant 0 : i32
      %dma_start3A_1629 = tpu.memref_slice %arg6[%dma_start3A_1616, %dma_start3A_1627, %dma_start3A_1628] : memref<5x128x128xf32, #tpu.memory_space<vmem>> -> memref<1x128x128xf32, #tpu.memory_space<vmem>>
      %dma_start3A_1630 = tpu.memref_squeeze %dma_start3A_1629 : memref<1x128x128xf32, #tpu.memory_space<vmem>> -> memref<128x128xf32, #tpu.memory_space<vmem>>
      tpu.enqueue_dma source(%dma_start3A_1630 : memref<128x128xf32, #tpu.memory_space<vmem>>) target(%dma_start3A_1626 : memref<128x128xf32, #tpu.memory_space<hbm>>) target_semaphore(%arg16 : memref<!tpu.dma_semaphore, #tpu.memory_space<semaphore_mem>>)
      %add3A_1631 = arith.constant 3 : i32
      %add3A_1632 = arith.addi %add3A_1520, %add3A_1631 : i32
      %sub3A_1633 = arith.constant 5 : i32
      %sub3A_1634 = arith.subi %add3A_1632, %sub3A_1633 : i32
      %jit3A_1635 = arith.constant 4 : i32
      %div3A_1636 = arith.divsi %sub3A_1634, %jit3A_1635 : i32
      %sign3A_1637 = arith.constant 0 : i32
      %sign3A_1638 = arith.cmpi sgt, %sub3A_1634, %sign3A_1637 : i32
      %sign3A_1639 = arith.extui %sign3A_1638 : i1 to i32
      %sign3A_1640 = arith.constant 0 : i32
      %sign3A_1641 = arith.cmpi slt, %sub3A_1634, %sign3A_1640 : i32
      %sign3A_1642 = arith.extui %sign3A_1641 : i1 to i32
      %sign3A_1643 = arith.subi %sign3A_1639, %sign3A_1642 : i32
      %sign3A_1644 = arith.constant 0 : i32
      %sign3A_1645 = arith.cmpi sgt, %jit3A_1635, %sign3A_1644 : i32
      %sign3A_1646 = arith.extui %sign3A_1645 : i1 to i32
      %sign3A_1647 = arith.constant 0 : i32
      %sign3A_1648 = arith.cmpi slt, %jit3A_1635, %sign3A_1647 : i32
      %sign3A_1649 = arith.extui %sign3A_1648 : i1 to i32
      %sign3A_1650 = arith.subi %sign3A_1646, %sign3A_1649 : i32
      %ne3A_1651 = arith.cmpi ne, %sign3A_1643, %sign3A_1650 : i32
      %rem3A_1652 = arith.remsi %sub3A_1634, %jit3A_1635 : i32
      %ne3A_1653 = arith.constant 0 : i32
      %ne3A_1654 = arith.cmpi ne, %rem3A_1652, %ne3A_1653 : i32
      %and3A_1655 = arith.andi %ne3A_1651, %ne3A_1654 : i1
      %sub3A_1656 = arith.constant 1 : i32
      %sub3A_1657 = arith.subi %div3A_1636, %sub3A_1656 : i32
      %select_n3A_1658 = arith.select %and3A_1655, %sub3A_1657, %div3A_1636 : i32
      %jit3A_1659 = arith.constant 4 : i32
      %eq3A_1660 = arith.constant 0 : i32
      %eq3A_1661 = arith.cmpi eq, %jit3A_1659, %eq3A_1660 : i32
      %jit3A_1662 = arith.constant 1 : i32
      %select_n3A_1663 = arith.select %eq3A_1661, %jit3A_1662, %jit3A_1659 : i32
      %rem3A_1664 = arith.remsi %sub3A_1634, %select_n3A_1663 : i32
      %ne3A_1665 = arith.constant 0 : i32
      %ne3A_1666 = arith.cmpi ne, %rem3A_1664, %ne3A_1665 : i32
      %lt3A_1667 = arith.constant 0 : i32
      %lt3A_1668 = arith.cmpi slt, %rem3A_1664, %lt3A_1667 : i32
      %lt3A_1669 = arith.constant 0 : i32
      %lt3A_1670 = arith.cmpi slt, %select_n3A_1663, %lt3A_1669 : i32
      %ne3A_1671 = arith.xori %lt3A_1668, %lt3A_1670 : i1
      %and3A_1672 = arith.andi %ne3A_1671, %ne3A_1666 : i1
      %add3A_1673 = arith.addi %rem3A_1664, %select_n3A_1663 : i32
      %select_n3A_1674 = arith.select %and3A_1672, %add3A_1673, %rem3A_1664 : i32
      %mul3A_1675 = arith.constant 128 : i32
      %mul3A_1676 = arith.muli %select_n3A_1674, %mul3A_1675 : i32
      %add3A_1677 = arith.addi %mul3A_2, %mul3A_1676 : i32
      %dma_wait3A_1678 = arith.constant 2 : i32
      %dma_wait3A_1679 = arith.constant 0 : i32
      %dma_wait3A_1680 = arith.constant 0 : i32
      %dma_wait3A_1681 = tpu.memref_slice %arg6[%dma_wait3A_1678, %dma_wait3A_1679, %dma_wait3A_1680] : memref<5x128x128xf32, #tpu.memory_space<vmem>> -> memref<1x128x128xf32, #tpu.memory_space<vmem>>
      %dma_wait3A_1682 = tpu.memref_squeeze %dma_wait3A_1681 : memref<1x128x128xf32, #tpu.memory_space<vmem>> -> memref<128x128xf32, #tpu.memory_space<vmem>>
      %dma_wait3A_1683 = arith.constant 0 : i32
      %dma_wait3A_1684 = tpu.memref_slice %arg4[%select_n3A_1658, %add3A_1677, %dma_wait3A_1683] : memref<50x16384x128xf32, #tpu.memory_space<hbm>> -> memref<1x128x128xf32, #tpu.memory_space<hbm>>
      %dma_wait3A_1685 = tpu.memref_squeeze %dma_wait3A_1684 : memref<1x128x128xf32, #tpu.memory_space<hbm>> -> memref<128x128xf32, #tpu.memory_space<hbm>>
      %dma_wait3A_1686 = arith.constant 0 : i32
      %dma_wait3A_1687 = tpu.memref_slice %arg4[%select_n3A_1658, %add3A_1677, %dma_wait3A_1686] : memref<50x16384x128xf32, #tpu.memory_space<hbm>> -> memref<1x128x128xf32, #tpu.memory_space<hbm>>
      %dma_wait3A_1688 = tpu.memref_squeeze %dma_wait3A_1687 : memref<1x128x128xf32, #tpu.memory_space<hbm>> -> memref<128x128xf32, #tpu.memory_space<hbm>>
      %dma_wait3A_1689 = arith.constant 0 : i32
      %dma_wait3A_1690 = arith.constant 0 : i32
      %dma_wait3A_1691 = tpu.memref_slice %arg6[%dma_wait3A_1678, %dma_wait3A_1689, %dma_wait3A_1690] : memref<5x128x128xf32, #tpu.memory_space<vmem>> -> memref<1x128x128xf32, #tpu.memory_space<vmem>>
      %dma_wait3A_1692 = tpu.memref_squeeze %dma_wait3A_1691 : memref<1x128x128xf32, #tpu.memory_space<vmem>> -> memref<128x128xf32, #tpu.memory_space<vmem>>
      tpu.wait_dma2 semaphore(%arg14 : memref<!tpu.dma_semaphore, #tpu.memory_space<semaphore_mem>>) src(%dma_wait3A_1692 : memref<128x128xf32, #tpu.memory_space<vmem>>) dst(%dma_wait3A_1688 : memref<128x128xf32, #tpu.memory_space<hbm>>)
      %add3A_1693 = arith.constant 3 : i32
      %add3A_1694 = arith.addi %add3A_1520, %add3A_1693 : i32
      %jit3A_1695 = arith.constant 4 : i32
      %div3A_1696 = arith.divsi %add3A_1694, %jit3A_1695 : i32
      %sign3A_1697 = arith.constant 0 : i32
      %sign3A_1698 = arith.cmpi sgt, %add3A_1694, %sign3A_1697 : i32
      %sign3A_1699 = arith.extui %sign3A_1698 : i1 to i32
      %sign3A_1700 = arith.constant 0 : i32
      %sign3A_1701 = arith.cmpi slt, %add3A_1694, %sign3A_1700 : i32
      %sign3A_1702 = arith.extui %sign3A_1701 : i1 to i32
      %sign3A_1703 = arith.subi %sign3A_1699, %sign3A_1702 : i32
      %sign3A_1704 = arith.constant 0 : i32
      %sign3A_1705 = arith.cmpi sgt, %jit3A_1695, %sign3A_1704 : i32
      %sign3A_1706 = arith.extui %sign3A_1705 : i1 to i32
      %sign3A_1707 = arith.constant 0 : i32
      %sign3A_1708 = arith.cmpi slt, %jit3A_1695, %sign3A_1707 : i32
      %sign3A_1709 = arith.extui %sign3A_1708 : i1 to i32
      %sign3A_1710 = arith.subi %sign3A_1706, %sign3A_1709 : i32
      %ne3A_1711 = arith.cmpi ne, %sign3A_1703, %sign3A_1710 : i32
      %rem3A_1712 = arith.remsi %add3A_1694, %jit3A_1695 : i32
      %ne3A_1713 = arith.constant 0 : i32
      %ne3A_1714 = arith.cmpi ne, %rem3A_1712, %ne3A_1713 : i32
      %and3A_1715 = arith.andi %ne3A_1711, %ne3A_1714 : i1
      %sub3A_1716 = arith.constant 1 : i32
      %sub3A_1717 = arith.subi %div3A_1696, %sub3A_1716 : i32
      %select_n3A_1718 = arith.select %and3A_1715, %sub3A_1717, %div3A_1696 : i32
      %jit3A_1719 = arith.constant 4 : i32
      %eq3A_1720 = arith.constant 0 : i32
      %eq3A_1721 = arith.cmpi eq, %jit3A_1719, %eq3A_1720 : i32
      %jit3A_1722 = arith.constant 1 : i32
      %select_n3A_1723 = arith.select %eq3A_1721, %jit3A_1722, %jit3A_1719 : i32
      %rem3A_1724 = arith.remsi %add3A_1694, %select_n3A_1723 : i32
      %ne3A_1725 = arith.constant 0 : i32
      %ne3A_1726 = arith.cmpi ne, %rem3A_1724, %ne3A_1725 : i32
      %lt3A_1727 = arith.constant 0 : i32
      %lt3A_1728 = arith.cmpi slt, %rem3A_1724, %lt3A_1727 : i32
      %lt3A_1729 = arith.constant 0 : i32
      %lt3A_1730 = arith.cmpi slt, %select_n3A_1723, %lt3A_1729 : i32
      %ne3A_1731 = arith.xori %lt3A_1728, %lt3A_1730 : i1
      %and3A_1732 = arith.andi %ne3A_1731, %ne3A_1726 : i1
      %add3A_1733 = arith.addi %rem3A_1724, %select_n3A_1723 : i32
      %select_n3A_1734 = arith.select %and3A_1732, %add3A_1733, %rem3A_1724 : i32
      %mul3A_1735 = arith.constant 128 : i32
      %mul3A_1736 = arith.muli %select_n3A_1734, %mul3A_1735 : i32
      %dma_start3A_1737 = arith.constant 2 : i32
      %dma_start3A_1738 = arith.constant 0 : i32
      %dma_start3A_1739 = arith.constant 0 : i32
      %dma_start3A_1740 = tpu.memref_slice %arg6[%dma_start3A_1737, %dma_start3A_1738, %dma_start3A_1739] : memref<5x128x128xf32, #tpu.memory_space<vmem>> -> memref<1x128x128xf32, #tpu.memory_space<vmem>>
      %dma_start3A_1741 = tpu.memref_squeeze %dma_start3A_1740 : memref<1x128x128xf32, #tpu.memory_space<vmem>> -> memref<128x128xf32, #tpu.memory_space<vmem>>
      %dma_start3A_1742 = tpu.memref_slice %arg5[%select_n3A_1718, %mul3A_1736] : memref<50x512xi32, #tpu.memory_space<vmem>> -> memref<1x128xi32, #tpu.memory_space<vmem>>
      %dma_start3A_1743 = tpu.memref_squeeze %dma_start3A_1742 : memref<1x128xi32, #tpu.memory_space<vmem>> -> memref<128xi32, #tpu.memory_space<vmem>>
      %dma_start3A_1744 = arith.constant 0 : i32
      %dma_start3A_1745 = arith.constant 0 : i32
      %dma_start3A_1746 = tpu.memref_slice %arg3[%dma_start3A_1744, %dma_start3A_1745] : memref<100000x128xf32, #tpu.memory_space<hbm>> -> memref<100000x128xf32, #tpu.memory_space<hbm>>
      tpu.enqueue_indirect_dma source(%dma_start3A_1746 : memref<100000x128xf32, #tpu.memory_space<hbm>>) target(%dma_start3A_1741 : memref<128x128xf32, #tpu.memory_space<vmem>>) offsets(%dma_start3A_1743 : memref<128xi32, #tpu.memory_space<vmem>>) semaphore(%arg9 : memref<!tpu.dma_semaphore, #tpu.memory_space<semaphore_mem>>)
    }
    %scan3A_305 = arith.constant 38 : i32
    %dma_wait3A_306 = arith.constant 48 : i32
    %dma_wait3A_307 = arith.constant 0 : i32
    %dma_wait3A_308 = arith.constant 0 : i32
    %dma_wait3A_309 = arith.constant 0 : i32
    %dma_wait3A_310 = tpu.memref_slice %arg6[%dma_wait3A_307, %dma_wait3A_308, %dma_wait3A_309] : memref<5x128x128xf32, #tpu.memory_space<vmem>> -> memref<1x128x128xf32, #tpu.memory_space<vmem>>
    %dma_wait3A_311 = tpu.memref_squeeze %dma_wait3A_310 : memref<1x128x128xf32, #tpu.memory_space<vmem>> -> memref<128x128xf32, #tpu.memory_space<vmem>>
    %dma_wait3A_312 = arith.constant 384 : i32
    %dma_wait3A_313 = tpu.memref_slice %arg5[%dma_wait3A_306, %dma_wait3A_312] : memref<50x512xi32, #tpu.memory_space<vmem>> -> memref<1x128xi32, #tpu.memory_space<vmem>>
    %dma_wait3A_314 = tpu.memref_squeeze %dma_wait3A_313 : memref<1x128xi32, #tpu.memory_space<vmem>> -> memref<128xi32, #tpu.memory_space<vmem>>
    %dma_wait3A_315 = arith.constant 0 : i32
    %dma_wait3A_316 = arith.constant 0 : i32
    %dma_wait3A_317 = tpu.memref_slice %arg3[%dma_wait3A_315, %dma_wait3A_316] : memref<100000x128xf32, #tpu.memory_space<hbm>> -> memref<100000x128xf32, #tpu.memory_space<hbm>>
    tpu.wait_indirect_dma semaphore(%arg7 : memref<!tpu.dma_semaphore, #tpu.memory_space<semaphore_mem>>) src(%dma_wait3A_317 : memref<100000x128xf32, #tpu.memory_space<hbm>>) dst(%dma_wait3A_311 : memref<128x128xf32, #tpu.memory_space<vmem>>)
    %add3A_318 = arith.constant 384 : i32
    %add3A_319 = arith.addi %mul3A_2, %add3A_318 : i32
    %dma_start3A_320 = arith.constant 0 : i32
    %dma_start3A_321 = arith.constant 48 : i32
    %dma_start3A_322 = arith.constant 0 : i32
    %dma_start3A_323 = arith.constant 0 : i32
    %dma_start3A_324 = tpu.memref_slice %arg6[%dma_start3A_320, %dma_start3A_322, %dma_start3A_323] : memref<5x128x128xf32, #tpu.memory_space<vmem>> -> memref<1x128x128xf32, #tpu.memory_space<vmem>>
    %dma_start3A_325 = tpu.memref_squeeze %dma_start3A_324 : memref<1x128x128xf32, #tpu.memory_space<vmem>> -> memref<128x128xf32, #tpu.memory_space<vmem>>
    %dma_start3A_326 = arith.constant 0 : i32
    %dma_start3A_327 = tpu.memref_slice %arg4[%dma_start3A_321, %add3A_319, %dma_start3A_326] : memref<50x16384x128xf32, #tpu.memory_space<hbm>> -> memref<1x128x128xf32, #tpu.memory_space<hbm>>
    %dma_start3A_328 = tpu.memref_squeeze %dma_start3A_327 : memref<1x128x128xf32, #tpu.memory_space<hbm>> -> memref<128x128xf32, #tpu.memory_space<hbm>>
    %dma_start3A_329 = arith.constant 0 : i32
    %dma_start3A_330 = tpu.memref_slice %arg4[%dma_start3A_321, %add3A_319, %dma_start3A_329] : memref<50x16384x128xf32, #tpu.memory_space<hbm>> -> memref<1x128x128xf32, #tpu.memory_space<hbm>>
    %dma_start3A_331 = tpu.memref_squeeze %dma_start3A_330 : memref<1x128x128xf32, #tpu.memory_space<hbm>> -> memref<128x128xf32, #tpu.memory_space<hbm>>
    %dma_start3A_332 = arith.constant 0 : i32
    %dma_start3A_333 = arith.constant 0 : i32
    %dma_start3A_334 = tpu.memref_slice %arg6[%dma_start3A_320, %dma_start3A_332, %dma_start3A_333] : memref<5x128x128xf32, #tpu.memory_space<vmem>> -> memref<1x128x128xf32, #tpu.memory_space<vmem>>
    %dma_start3A_335 = tpu.memref_squeeze %dma_start3A_334 : memref<1x128x128xf32, #tpu.memory_space<vmem>> -> memref<128x128xf32, #tpu.memory_space<vmem>>
    tpu.enqueue_dma source(%dma_start3A_335 : memref<128x128xf32, #tpu.memory_space<vmem>>) target(%dma_start3A_331 : memref<128x128xf32, #tpu.memory_space<hbm>>) target_semaphore(%arg12 : memref<!tpu.dma_semaphore, #tpu.memory_space<semaphore_mem>>)
    %add3A_336 = arith.constant 128 : i32
    %add3A_337 = arith.addi %mul3A_2, %add3A_336 : i32
    %dma_wait3A_338 = arith.constant 3 : i32
    %dma_wait3A_339 = arith.constant 48 : i32
    %dma_wait3A_340 = arith.constant 0 : i32
    %dma_wait3A_341 = arith.constant 0 : i32
    %dma_wait3A_342 = tpu.memref_slice %arg6[%dma_wait3A_338, %dma_wait3A_340, %dma_wait3A_341] : memref<5x128x128xf32, #tpu.memory_space<vmem>> -> memref<1x128x128xf32, #tpu.memory_space<vmem>>
    %dma_wait3A_343 = tpu.memref_squeeze %dma_wait3A_342 : memref<1x128x128xf32, #tpu.memory_space<vmem>> -> memref<128x128xf32, #tpu.memory_space<vmem>>
    %dma_wait3A_344 = arith.constant 0 : i32
    %dma_wait3A_345 = tpu.memref_slice %arg4[%dma_wait3A_339, %add3A_337, %dma_wait3A_344] : memref<50x16384x128xf32, #tpu.memory_space<hbm>> -> memref<1x128x128xf32, #tpu.memory_space<hbm>>
    %dma_wait3A_346 = tpu.memref_squeeze %dma_wait3A_345 : memref<1x128x128xf32, #tpu.memory_space<hbm>> -> memref<128x128xf32, #tpu.memory_space<hbm>>
    %dma_wait3A_347 = arith.constant 0 : i32
    %dma_wait3A_348 = tpu.memref_slice %arg4[%dma_wait3A_339, %add3A_337, %dma_wait3A_347] : memref<50x16384x128xf32, #tpu.memory_space<hbm>> -> memref<1x128x128xf32, #tpu.memory_space<hbm>>
    %dma_wait3A_349 = tpu.memref_squeeze %dma_wait3A_348 : memref<1x128x128xf32, #tpu.memory_space<hbm>> -> memref<128x128xf32, #tpu.memory_space<hbm>>
    %dma_wait3A_350 = arith.constant 0 : i32
    %dma_wait3A_351 = arith.constant 0 : i32
    %dma_wait3A_352 = tpu.memref_slice %arg6[%dma_wait3A_338, %dma_wait3A_350, %dma_wait3A_351] : memref<5x128x128xf32, #tpu.memory_space<vmem>> -> memref<1x128x128xf32, #tpu.memory_space<vmem>>
    %dma_wait3A_353 = tpu.memref_squeeze %dma_wait3A_352 : memref<1x128x128xf32, #tpu.memory_space<vmem>> -> memref<128x128xf32, #tpu.memory_space<vmem>>
    tpu.wait_dma2 semaphore(%arg15 : memref<!tpu.dma_semaphore, #tpu.memory_space<semaphore_mem>>) src(%dma_wait3A_353 : memref<128x128xf32, #tpu.memory_space<vmem>>) dst(%dma_wait3A_349 : memref<128x128xf32, #tpu.memory_space<hbm>>)
    %dma_start3A_354 = arith.constant 49 : i32
    %dma_start3A_355 = arith.constant 3 : i32
    %dma_start3A_356 = arith.constant 0 : i32
    %dma_start3A_357 = arith.constant 0 : i32
    %dma_start3A_358 = tpu.memref_slice %arg6[%dma_start3A_355, %dma_start3A_356, %dma_start3A_357] : memref<5x128x128xf32, #tpu.memory_space<vmem>> -> memref<1x128x128xf32, #tpu.memory_space<vmem>>
    %dma_start3A_359 = tpu.memref_squeeze %dma_start3A_358 : memref<1x128x128xf32, #tpu.memory_space<vmem>> -> memref<128x128xf32, #tpu.memory_space<vmem>>
    %dma_start3A_360 = arith.constant 256 : i32
    %dma_start3A_361 = tpu.memref_slice %arg5[%dma_start3A_354, %dma_start3A_360] : memref<50x512xi32, #tpu.memory_space<vmem>> -> memref<1x128xi32, #tpu.memory_space<vmem>>
    %dma_start3A_362 = tpu.memref_squeeze %dma_start3A_361 : memref<1x128xi32, #tpu.memory_space<vmem>> -> memref<128xi32, #tpu.memory_space<vmem>>
    %dma_start3A_363 = arith.constant 0 : i32
    %dma_start3A_364 = arith.constant 0 : i32
    %dma_start3A_365 = tpu.memref_slice %arg3[%dma_start3A_363, %dma_start3A_364] : memref<100000x128xf32, #tpu.memory_space<hbm>> -> memref<100000x128xf32, #tpu.memory_space<hbm>>
    tpu.enqueue_indirect_dma source(%dma_start3A_365 : memref<100000x128xf32, #tpu.memory_space<hbm>>) target(%dma_start3A_359 : memref<128x128xf32, #tpu.memory_space<vmem>>) offsets(%dma_start3A_362 : memref<128xi32, #tpu.memory_space<vmem>>) semaphore(%arg10 : memref<!tpu.dma_semaphore, #tpu.memory_space<semaphore_mem>>)
    %dma_wait3A_366 = arith.constant 49 : i32
    %dma_wait3A_367 = arith.constant 1 : i32
    %dma_wait3A_368 = arith.constant 0 : i32
    %dma_wait3A_369 = arith.constant 0 : i32
    %dma_wait3A_370 = tpu.memref_slice %arg6[%dma_wait3A_367, %dma_wait3A_368, %dma_wait3A_369] : memref<5x128x128xf32, #tpu.memory_space<vmem>> -> memref<1x128x128xf32, #tpu.memory_space<vmem>>
    %dma_wait3A_371 = tpu.memref_squeeze %dma_wait3A_370 : memref<1x128x128xf32, #tpu.memory_space<vmem>> -> memref<128x128xf32, #tpu.memory_space<vmem>>
    %dma_wait3A_372 = arith.constant 0 : i32
    %dma_wait3A_373 = tpu.memref_slice %arg5[%dma_wait3A_366, %dma_wait3A_372] : memref<50x512xi32, #tpu.memory_space<vmem>> -> memref<1x128xi32, #tpu.memory_space<vmem>>
    %dma_wait3A_374 = tpu.memref_squeeze %dma_wait3A_373 : memref<1x128xi32, #tpu.memory_space<vmem>> -> memref<128xi32, #tpu.memory_space<vmem>>
    %dma_wait3A_375 = arith.constant 0 : i32
    %dma_wait3A_376 = arith.constant 0 : i32
    %dma_wait3A_377 = tpu.memref_slice %arg3[%dma_wait3A_375, %dma_wait3A_376] : memref<100000x128xf32, #tpu.memory_space<hbm>> -> memref<100000x128xf32, #tpu.memory_space<hbm>>
    tpu.wait_indirect_dma semaphore(%arg8 : memref<!tpu.dma_semaphore, #tpu.memory_space<semaphore_mem>>) src(%dma_wait3A_377 : memref<100000x128xf32, #tpu.memory_space<hbm>>) dst(%dma_wait3A_371 : memref<128x128xf32, #tpu.memory_space<vmem>>)
    %add3A_378 = arith.constant 0 : i32
    %add3A_379 = arith.addi %mul3A_2, %add3A_378 : i32
    %dma_start3A_380 = arith.constant 1 : i32
    %dma_start3A_381 = arith.constant 49 : i32
    %dma_start3A_382 = arith.constant 0 : i32
    %dma_start3A_383 = arith.constant 0 : i32
    %dma_start3A_384 = tpu.memref_slice %arg6[%dma_start3A_380, %dma_start3A_382, %dma_start3A_383] : memref<5x128x128xf32, #tpu.memory_space<vmem>> -> memref<1x128x128xf32, #tpu.memory_space<vmem>>
    %dma_start3A_385 = tpu.memref_squeeze %dma_start3A_384 : memref<1x128x128xf32, #tpu.memory_space<vmem>> -> memref<128x128xf32, #tpu.memory_space<vmem>>
    %dma_start3A_386 = arith.constant 0 : i32
    %dma_start3A_387 = tpu.memref_slice %arg4[%dma_start3A_381, %add3A_379, %dma_start3A_386] : memref<50x16384x128xf32, #tpu.memory_space<hbm>> -> memref<1x128x128xf32, #tpu.memory_space<hbm>>
    %dma_start3A_388 = tpu.memref_squeeze %dma_start3A_387 : memref<1x128x128xf32, #tpu.memory_space<hbm>> -> memref<128x128xf32, #tpu.memory_space<hbm>>
    %dma_start3A_389 = arith.constant 0 : i32
    %dma_start3A_390 = tpu.memref_slice %arg4[%dma_start3A_381, %add3A_379, %dma_start3A_389] : memref<50x16384x128xf32, #tpu.memory_space<hbm>> -> memref<1x128x128xf32, #tpu.memory_space<hbm>>
    %dma_start3A_391 = tpu.memref_squeeze %dma_start3A_390 : memref<1x128x128xf32, #tpu.memory_space<hbm>> -> memref<128x128xf32, #tpu.memory_space<hbm>>
    %dma_start3A_392 = arith.constant 0 : i32
    %dma_start3A_393 = arith.constant 0 : i32
    %dma_start3A_394 = tpu.memref_slice %arg6[%dma_start3A_380, %dma_start3A_392, %dma_start3A_393] : memref<5x128x128xf32, #tpu.memory_space<vmem>> -> memref<1x128x128xf32, #tpu.memory_space<vmem>>
    %dma_start3A_395 = tpu.memref_squeeze %dma_start3A_394 : memref<1x128x128xf32, #tpu.memory_space<vmem>> -> memref<128x128xf32, #tpu.memory_space<vmem>>
    tpu.enqueue_dma source(%dma_start3A_395 : memref<128x128xf32, #tpu.memory_space<vmem>>) target(%dma_start3A_391 : memref<128x128xf32, #tpu.memory_space<hbm>>) target_semaphore(%arg13 : memref<!tpu.dma_semaphore, #tpu.memory_space<semaphore_mem>>)
    %add3A_396 = arith.constant 256 : i32
    %add3A_397 = arith.addi %mul3A_2, %add3A_396 : i32
    %dma_wait3A_398 = arith.constant 4 : i32
    %dma_wait3A_399 = arith.constant 48 : i32
    %dma_wait3A_400 = arith.constant 0 : i32
    %dma_wait3A_401 = arith.constant 0 : i32
    %dma_wait3A_402 = tpu.memref_slice %arg6[%dma_wait3A_398, %dma_wait3A_400, %dma_wait3A_401] : memref<5x128x128xf32, #tpu.memory_space<vmem>> -> memref<1x128x128xf32, #tpu.memory_space<vmem>>
    %dma_wait3A_403 = tpu.memref_squeeze %dma_wait3A_402 : memref<1x128x128xf32, #tpu.memory_space<vmem>> -> memref<128x128xf32, #tpu.memory_space<vmem>>
    %dma_wait3A_404 = arith.constant 0 : i32
    %dma_wait3A_405 = tpu.memref_slice %arg4[%dma_wait3A_399, %add3A_397, %dma_wait3A_404] : memref<50x16384x128xf32, #tpu.memory_space<hbm>> -> memref<1x128x128xf32, #tpu.memory_space<hbm>>
    %dma_wait3A_406 = tpu.memref_squeeze %dma_wait3A_405 : memref<1x128x128xf32, #tpu.memory_space<hbm>> -> memref<128x128xf32, #tpu.memory_space<hbm>>
    %dma_wait3A_407 = arith.constant 0 : i32
    %dma_wait3A_408 = tpu.memref_slice %arg4[%dma_wait3A_399, %add3A_397, %dma_wait3A_407] : memref<50x16384x128xf32, #tpu.memory_space<hbm>> -> memref<1x128x128xf32, #tpu.memory_space<hbm>>
    %dma_wait3A_409 = tpu.memref_squeeze %dma_wait3A_408 : memref<1x128x128xf32, #tpu.memory_space<hbm>> -> memref<128x128xf32, #tpu.memory_space<hbm>>
    %dma_wait3A_410 = arith.constant 0 : i32
    %dma_wait3A_411 = arith.constant 0 : i32
    %dma_wait3A_412 = tpu.memref_slice %arg6[%dma_wait3A_398, %dma_wait3A_410, %dma_wait3A_411] : memref<5x128x128xf32, #tpu.memory_space<vmem>> -> memref<1x128x128xf32, #tpu.memory_space<vmem>>
    %dma_wait3A_413 = tpu.memref_squeeze %dma_wait3A_412 : memref<1x128x128xf32, #tpu.memory_space<vmem>> -> memref<128x128xf32, #tpu.memory_space<vmem>>
    tpu.wait_dma2 semaphore(%arg16 : memref<!tpu.dma_semaphore, #tpu.memory_space<semaphore_mem>>) src(%dma_wait3A_413 : memref<128x128xf32, #tpu.memory_space<vmem>>) dst(%dma_wait3A_409 : memref<128x128xf32, #tpu.memory_space<hbm>>)
    %dma_start3A_414 = arith.constant 49 : i32
    %dma_start3A_415 = arith.constant 4 : i32
    %dma_start3A_416 = arith.constant 0 : i32
    %dma_start3A_417 = arith.constant 0 : i32
    %dma_start3A_418 = tpu.memref_slice %arg6[%dma_start3A_415, %dma_start3A_416, %dma_start3A_417] : memref<5x128x128xf32, #tpu.memory_space<vmem>> -> memref<1x128x128xf32, #tpu.memory_space<vmem>>
    %dma_start3A_419 = tpu.memref_squeeze %dma_start3A_418 : memref<1x128x128xf32, #tpu.memory_space<vmem>> -> memref<128x128xf32, #tpu.memory_space<vmem>>
    %dma_start3A_420 = arith.constant 384 : i32
    %dma_start3A_421 = tpu.memref_slice %arg5[%dma_start3A_414, %dma_start3A_420] : memref<50x512xi32, #tpu.memory_space<vmem>> -> memref<1x128xi32, #tpu.memory_space<vmem>>
    %dma_start3A_422 = tpu.memref_squeeze %dma_start3A_421 : memref<1x128xi32, #tpu.memory_space<vmem>> -> memref<128xi32, #tpu.memory_space<vmem>>
    %dma_start3A_423 = arith.constant 0 : i32
    %dma_start3A_424 = arith.constant 0 : i32
    %dma_start3A_425 = tpu.memref_slice %arg3[%dma_start3A_423, %dma_start3A_424] : memref<100000x128xf32, #tpu.memory_space<hbm>> -> memref<100000x128xf32, #tpu.memory_space<hbm>>
    tpu.enqueue_indirect_dma source(%dma_start3A_425 : memref<100000x128xf32, #tpu.memory_space<hbm>>) target(%dma_start3A_419 : memref<128x128xf32, #tpu.memory_space<vmem>>) offsets(%dma_start3A_422 : memref<128xi32, #tpu.memory_space<vmem>>) semaphore(%arg11 : memref<!tpu.dma_semaphore, #tpu.memory_space<semaphore_mem>>)
    %dma_wait3A_426 = arith.constant 49 : i32
    %dma_wait3A_427 = arith.constant 2 : i32
    %dma_wait3A_428 = arith.constant 0 : i32
    %dma_wait3A_429 = arith.constant 0 : i32
    %dma_wait3A_430 = tpu.memref_slice %arg6[%dma_wait3A_427, %dma_wait3A_428, %dma_wait3A_429] : memref<5x128x128xf32, #tpu.memory_space<vmem>> -> memref<1x128x128xf32, #tpu.memory_space<vmem>>
    %dma_wait3A_431 = tpu.memref_squeeze %dma_wait3A_430 : memref<1x128x128xf32, #tpu.memory_space<vmem>> -> memref<128x128xf32, #tpu.memory_space<vmem>>
    %dma_wait3A_432 = arith.constant 128 : i32
    %dma_wait3A_433 = tpu.memref_slice %arg5[%dma_wait3A_426, %dma_wait3A_432] : memref<50x512xi32, #tpu.memory_space<vmem>> -> memref<1x128xi32, #tpu.memory_space<vmem>>
    %dma_wait3A_434 = tpu.memref_squeeze %dma_wait3A_433 : memref<1x128xi32, #tpu.memory_space<vmem>> -> memref<128xi32, #tpu.memory_space<vmem>>
    %dma_wait3A_435 = arith.constant 0 : i32
    %dma_wait3A_436 = arith.constant 0 : i32
    %dma_wait3A_437 = tpu.memref_slice %arg3[%dma_wait3A_435, %dma_wait3A_436] : memref<100000x128xf32, #tpu.memory_space<hbm>> -> memref<100000x128xf32, #tpu.memory_space<hbm>>
    tpu.wait_indirect_dma semaphore(%arg9 : memref<!tpu.dma_semaphore, #tpu.memory_space<semaphore_mem>>) src(%dma_wait3A_437 : memref<100000x128xf32, #tpu.memory_space<hbm>>) dst(%dma_wait3A_431 : memref<128x128xf32, #tpu.memory_space<vmem>>)
    %add3A_438 = arith.constant 128 : i32
    %add3A_439 = arith.addi %mul3A_2, %add3A_438 : i32
    %dma_start3A_440 = arith.constant 2 : i32
    %dma_start3A_441 = arith.constant 49 : i32
    %dma_start3A_442 = arith.constant 0 : i32
    %dma_start3A_443 = arith.constant 0 : i32
    %dma_start3A_444 = tpu.memref_slice %arg6[%dma_start3A_440, %dma_start3A_442, %dma_start3A_443] : memref<5x128x128xf32, #tpu.memory_space<vmem>> -> memref<1x128x128xf32, #tpu.memory_space<vmem>>
    %dma_start3A_445 = tpu.memref_squeeze %dma_start3A_444 : memref<1x128x128xf32, #tpu.memory_space<vmem>> -> memref<128x128xf32, #tpu.memory_space<vmem>>
    %dma_start3A_446 = arith.constant 0 : i32
    %dma_start3A_447 = tpu.memref_slice %arg4[%dma_start3A_441, %add3A_439, %dma_start3A_446] : memref<50x16384x128xf32, #tpu.memory_space<hbm>> -> memref<1x128x128xf32, #tpu.memory_space<hbm>>
    %dma_start3A_448 = tpu.memref_squeeze %dma_start3A_447 : memref<1x128x128xf32, #tpu.memory_space<hbm>> -> memref<128x128xf32, #tpu.memory_space<hbm>>
    %dma_start3A_449 = arith.constant 0 : i32
    %dma_start3A_450 = tpu.memref_slice %arg4[%dma_start3A_441, %add3A_439, %dma_start3A_449] : memref<50x16384x128xf32, #tpu.memory_space<hbm>> -> memref<1x128x128xf32, #tpu.memory_space<hbm>>
    %dma_start3A_451 = tpu.memref_squeeze %dma_start3A_450 : memref<1x128x128xf32, #tpu.memory_space<hbm>> -> memref<128x128xf32, #tpu.memory_space<hbm>>
    %dma_start3A_452 = arith.constant 0 : i32
    %dma_start3A_453 = arith.constant 0 : i32
    %dma_start3A_454 = tpu.memref_slice %arg6[%dma_start3A_440, %dma_start3A_452, %dma_start3A_453] : memref<5x128x128xf32, #tpu.memory_space<vmem>> -> memref<1x128x128xf32, #tpu.memory_space<vmem>>
    %dma_start3A_455 = tpu.memref_squeeze %dma_start3A_454 : memref<1x128x128xf32, #tpu.memory_space<vmem>> -> memref<128x128xf32, #tpu.memory_space<vmem>>
    tpu.enqueue_dma source(%dma_start3A_455 : memref<128x128xf32, #tpu.memory_space<vmem>>) target(%dma_start3A_451 : memref<128x128xf32, #tpu.memory_space<hbm>>) target_semaphore(%arg14 : memref<!tpu.dma_semaphore, #tpu.memory_space<semaphore_mem>>)
    %dma_wait3A_456 = arith.constant 49 : i32
    %dma_wait3A_457 = arith.constant 3 : i32
    %dma_wait3A_458 = arith.constant 0 : i32
    %dma_wait3A_459 = arith.constant 0 : i32
    %dma_wait3A_460 = tpu.memref_slice %arg6[%dma_wait3A_457, %dma_wait3A_458, %dma_wait3A_459] : memref<5x128x128xf32, #tpu.memory_space<vmem>> -> memref<1x128x128xf32, #tpu.memory_space<vmem>>
    %dma_wait3A_461 = tpu.memref_squeeze %dma_wait3A_460 : memref<1x128x128xf32, #tpu.memory_space<vmem>> -> memref<128x128xf32, #tpu.memory_space<vmem>>
    %dma_wait3A_462 = arith.constant 256 : i32
    %dma_wait3A_463 = tpu.memref_slice %arg5[%dma_wait3A_456, %dma_wait3A_462] : memref<50x512xi32, #tpu.memory_space<vmem>> -> memref<1x128xi32, #tpu.memory_space<vmem>>
    %dma_wait3A_464 = tpu.memref_squeeze %dma_wait3A_463 : memref<1x128xi32, #tpu.memory_space<vmem>> -> memref<128xi32, #tpu.memory_space<vmem>>
    %dma_wait3A_465 = arith.constant 0 : i32
    %dma_wait3A_466 = arith.constant 0 : i32
    %dma_wait3A_467 = tpu.memref_slice %arg3[%dma_wait3A_465, %dma_wait3A_466] : memref<100000x128xf32, #tpu.memory_space<hbm>> -> memref<100000x128xf32, #tpu.memory_space<hbm>>
    tpu.wait_indirect_dma semaphore(%arg10 : memref<!tpu.dma_semaphore, #tpu.memory_space<semaphore_mem>>) src(%dma_wait3A_467 : memref<100000x128xf32, #tpu.memory_space<hbm>>) dst(%dma_wait3A_461 : memref<128x128xf32, #tpu.memory_space<vmem>>)
    %add3A_468 = arith.constant 256 : i32
    %add3A_469 = arith.addi %mul3A_2, %add3A_468 : i32
    %dma_start3A_470 = arith.constant 3 : i32
    %dma_start3A_471 = arith.constant 49 : i32
    %dma_start3A_472 = arith.constant 0 : i32
    %dma_start3A_473 = arith.constant 0 : i32
    %dma_start3A_474 = tpu.memref_slice %arg6[%dma_start3A_470, %dma_start3A_472, %dma_start3A_473] : memref<5x128x128xf32, #tpu.memory_space<vmem>> -> memref<1x128x128xf32, #tpu.memory_space<vmem>>
    %dma_start3A_475 = tpu.memref_squeeze %dma_start3A_474 : memref<1x128x128xf32, #tpu.memory_space<vmem>> -> memref<128x128xf32, #tpu.memory_space<vmem>>
    %dma_start3A_476 = arith.constant 0 : i32
    %dma_start3A_477 = tpu.memref_slice %arg4[%dma_start3A_471, %add3A_469, %dma_start3A_476] : memref<50x16384x128xf32, #tpu.memory_space<hbm>> -> memref<1x128x128xf32, #tpu.memory_space<hbm>>
    %dma_start3A_478 = tpu.memref_squeeze %dma_start3A_477 : memref<1x128x128xf32, #tpu.memory_space<hbm>> -> memref<128x128xf32, #tpu.memory_space<hbm>>
    %dma_start3A_479 = arith.constant 0 : i32
    %dma_start3A_480 = tpu.memref_slice %arg4[%dma_start3A_471, %add3A_469, %dma_start3A_479] : memref<50x16384x128xf32, #tpu.memory_space<hbm>> -> memref<1x128x128xf32, #tpu.memory_space<hbm>>
    %dma_start3A_481 = tpu.memref_squeeze %dma_start3A_480 : memref<1x128x128xf32, #tpu.memory_space<hbm>> -> memref<128x128xf32, #tpu.memory_space<hbm>>
    %dma_start3A_482 = arith.constant 0 : i32
    %dma_start3A_483 = arith.constant 0 : i32
    %dma_start3A_484 = tpu.memref_slice %arg6[%dma_start3A_470, %dma_start3A_482, %dma_start3A_483] : memref<5x128x128xf32, #tpu.memory_space<vmem>> -> memref<1x128x128xf32, #tpu.memory_space<vmem>>
    %dma_start3A_485 = tpu.memref_squeeze %dma_start3A_484 : memref<1x128x128xf32, #tpu.memory_space<vmem>> -> memref<128x128xf32, #tpu.memory_space<vmem>>
    tpu.enqueue_dma source(%dma_start3A_485 : memref<128x128xf32, #tpu.memory_space<vmem>>) target(%dma_start3A_481 : memref<128x128xf32, #tpu.memory_space<hbm>>) target_semaphore(%arg15 : memref<!tpu.dma_semaphore, #tpu.memory_space<semaphore_mem>>)
    %dma_wait3A_486 = arith.constant 49 : i32
    %dma_wait3A_487 = arith.constant 4 : i32
    %dma_wait3A_488 = arith.constant 0 : i32
    %dma_wait3A_489 = arith.constant 0 : i32
    %dma_wait3A_490 = tpu.memref_slice %arg6[%dma_wait3A_487, %dma_wait3A_488, %dma_wait3A_489] : memref<5x128x128xf32, #tpu.memory_space<vmem>> -> memref<1x128x128xf32, #tpu.memory_space<vmem>>
    %dma_wait3A_491 = tpu.memref_squeeze %dma_wait3A_490 : memref<1x128x128xf32, #tpu.memory_space<vmem>> -> memref<128x128xf32, #tpu.memory_space<vmem>>
    %dma_wait3A_492 = arith.constant 384 : i32
    %dma_wait3A_493 = tpu.memref_slice %arg5[%dma_wait3A_486, %dma_wait3A_492] : memref<50x512xi32, #tpu.memory_space<vmem>> -> memref<1x128xi32, #tpu.memory_space<vmem>>
    %dma_wait3A_494 = tpu.memref_squeeze %dma_wait3A_493 : memref<1x128xi32, #tpu.memory_space<vmem>> -> memref<128xi32, #tpu.memory_space<vmem>>
    %dma_wait3A_495 = arith.constant 0 : i32
    %dma_wait3A_496 = arith.constant 0 : i32
    %dma_wait3A_497 = tpu.memref_slice %arg3[%dma_wait3A_495, %dma_wait3A_496] : memref<100000x128xf32, #tpu.memory_space<hbm>> -> memref<100000x128xf32, #tpu.memory_space<hbm>>
    tpu.wait_indirect_dma semaphore(%arg11 : memref<!tpu.dma_semaphore, #tpu.memory_space<semaphore_mem>>) src(%dma_wait3A_497 : memref<100000x128xf32, #tpu.memory_space<hbm>>) dst(%dma_wait3A_491 : memref<128x128xf32, #tpu.memory_space<vmem>>)
    %add3A_498 = arith.constant 384 : i32
    %add3A_499 = arith.addi %mul3A_2, %add3A_498 : i32
    %dma_start3A_500 = arith.constant 4 : i32
    %dma_start3A_501 = arith.constant 49 : i32
    %dma_start3A_502 = arith.constant 0 : i32
    %dma_start3A_503 = arith.constant 0 : i32
    %dma_start3A_504 = tpu.memref_slice %arg6[%dma_start3A_500, %dma_start3A_502, %dma_start3A_503] : memref<5x128x128xf32, #tpu.memory_space<vmem>> -> memref<1x128x128xf32, #tpu.memory_space<vmem>>
    %dma_start3A_505 = tpu.memref_squeeze %dma_start3A_504 : memref<1x128x128xf32, #tpu.memory_space<vmem>> -> memref<128x128xf32, #tpu.memory_space<vmem>>
    %dma_start3A_506 = arith.constant 0 : i32
    %dma_start3A_507 = tpu.memref_slice %arg4[%dma_start3A_501, %add3A_499, %dma_start3A_506] : memref<50x16384x128xf32, #tpu.memory_space<hbm>> -> memref<1x128x128xf32, #tpu.memory_space<hbm>>
    %dma_start3A_508 = tpu.memref_squeeze %dma_start3A_507 : memref<1x128x128xf32, #tpu.memory_space<hbm>> -> memref<128x128xf32, #tpu.memory_space<hbm>>
    %dma_start3A_509 = arith.constant 0 : i32
    %dma_start3A_510 = tpu.memref_slice %arg4[%dma_start3A_501, %add3A_499, %dma_start3A_509] : memref<50x16384x128xf32, #tpu.memory_space<hbm>> -> memref<1x128x128xf32, #tpu.memory_space<hbm>>
    %dma_start3A_511 = tpu.memref_squeeze %dma_start3A_510 : memref<1x128x128xf32, #tpu.memory_space<hbm>> -> memref<128x128xf32, #tpu.memory_space<hbm>>
    %dma_start3A_512 = arith.constant 0 : i32
    %dma_start3A_513 = arith.constant 0 : i32
    %dma_start3A_514 = tpu.memref_slice %arg6[%dma_start3A_500, %dma_start3A_512, %dma_start3A_513] : memref<5x128x128xf32, #tpu.memory_space<vmem>> -> memref<1x128x128xf32, #tpu.memory_space<vmem>>
    %dma_start3A_515 = tpu.memref_squeeze %dma_start3A_514 : memref<1x128x128xf32, #tpu.memory_space<vmem>> -> memref<128x128xf32, #tpu.memory_space<vmem>>
    tpu.enqueue_dma source(%dma_start3A_515 : memref<128x128xf32, #tpu.memory_space<vmem>>) target(%dma_start3A_511 : memref<128x128xf32, #tpu.memory_space<hbm>>) target_semaphore(%arg16 : memref<!tpu.dma_semaphore, #tpu.memory_space<semaphore_mem>>)
    %add3A_516 = arith.constant 384 : i32
    %add3A_517 = arith.addi %mul3A_2, %add3A_516 : i32
    %dma_wait3A_518 = arith.constant 0 : i32
    %dma_wait3A_519 = arith.constant 48 : i32
    %dma_wait3A_520 = arith.constant 0 : i32
    %dma_wait3A_521 = arith.constant 0 : i32
    %dma_wait3A_522 = tpu.memref_slice %arg6[%dma_wait3A_518, %dma_wait3A_520, %dma_wait3A_521] : memref<5x128x128xf32, #tpu.memory_space<vmem>> -> memref<1x128x128xf32, #tpu.memory_space<vmem>>
    %dma_wait3A_523 = tpu.memref_squeeze %dma_wait3A_522 : memref<1x128x128xf32, #tpu.memory_space<vmem>> -> memref<128x128xf32, #tpu.memory_space<vmem>>
    %dma_wait3A_524 = arith.constant 0 : i32
    %dma_wait3A_525 = tpu.memref_slice %arg4[%dma_wait3A_519, %add3A_517, %dma_wait3A_524] : memref<50x16384x128xf32, #tpu.memory_space<hbm>> -> memref<1x128x128xf32, #tpu.memory_space<hbm>>
    %dma_wait3A_526 = tpu.memref_squeeze %dma_wait3A_525 : memref<1x128x128xf32, #tpu.memory_space<hbm>> -> memref<128x128xf32, #tpu.memory_space<hbm>>
    %dma_wait3A_527 = arith.constant 0 : i32
    %dma_wait3A_528 = tpu.memref_slice %arg4[%dma_wait3A_519, %add3A_517, %dma_wait3A_527] : memref<50x16384x128xf32, #tpu.memory_space<hbm>> -> memref<1x128x128xf32, #tpu.memory_space<hbm>>
    %dma_wait3A_529 = tpu.memref_squeeze %dma_wait3A_528 : memref<1x128x128xf32, #tpu.memory_space<hbm>> -> memref<128x128xf32, #tpu.memory_space<hbm>>
    %dma_wait3A_530 = arith.constant 0 : i32
    %dma_wait3A_531 = arith.constant 0 : i32
    %dma_wait3A_532 = tpu.memref_slice %arg6[%dma_wait3A_518, %dma_wait3A_530, %dma_wait3A_531] : memref<5x128x128xf32, #tpu.memory_space<vmem>> -> memref<1x128x128xf32, #tpu.memory_space<vmem>>
    %dma_wait3A_533 = tpu.memref_squeeze %dma_wait3A_532 : memref<1x128x128xf32, #tpu.memory_space<vmem>> -> memref<128x128xf32, #tpu.memory_space<vmem>>
    tpu.wait_dma2 semaphore(%arg12 : memref<!tpu.dma_semaphore, #tpu.memory_space<semaphore_mem>>) src(%dma_wait3A_533 : memref<128x128xf32, #tpu.memory_space<vmem>>) dst(%dma_wait3A_529 : memref<128x128xf32, #tpu.memory_space<hbm>>)
    %add3A_534 = arith.constant 0 : i32
    %add3A_535 = arith.addi %mul3A_2, %add3A_534 : i32
    %dma_wait3A_536 = arith.constant 1 : i32
    %dma_wait3A_537 = arith.constant 49 : i32
    %dma_wait3A_538 = arith.constant 0 : i32
    %dma_wait3A_539 = arith.constant 0 : i32
    %dma_wait3A_540 = tpu.memref_slice %arg6[%dma_wait3A_536, %dma_wait3A_538, %dma_wait3A_539] : memref<5x128x128xf32, #tpu.memory_space<vmem>> -> memref<1x128x128xf32, #tpu.memory_space<vmem>>
    %dma_wait3A_541 = tpu.memref_squeeze %dma_wait3A_540 : memref<1x128x128xf32, #tpu.memory_space<vmem>> -> memref<128x128xf32, #tpu.memory_space<vmem>>
    %dma_wait3A_542 = arith.constant 0 : i32
    %dma_wait3A_543 = tpu.memref_slice %arg4[%dma_wait3A_537, %add3A_535, %dma_wait3A_542] : memref<50x16384x128xf32, #tpu.memory_space<hbm>> -> memref<1x128x128xf32, #tpu.memory_space<hbm>>
    %dma_wait3A_544 = tpu.memref_squeeze %dma_wait3A_543 : memref<1x128x128xf32, #tpu.memory_space<hbm>> -> memref<128x128xf32, #tpu.memory_space<hbm>>
    %dma_wait3A_545 = arith.constant 0 : i32
    %dma_wait3A_546 = tpu.memref_slice %arg4[%dma_wait3A_537, %add3A_535, %dma_wait3A_545] : memref<50x16384x128xf32, #tpu.memory_space<hbm>> -> memref<1x128x128xf32, #tpu.memory_space<hbm>>
    %dma_wait3A_547 = tpu.memref_squeeze %dma_wait3A_546 : memref<1x128x128xf32, #tpu.memory_space<hbm>> -> memref<128x128xf32, #tpu.memory_space<hbm>>
    %dma_wait3A_548 = arith.constant 0 : i32
    %dma_wait3A_549 = arith.constant 0 : i32
    %dma_wait3A_550 = tpu.memref_slice %arg6[%dma_wait3A_536, %dma_wait3A_548, %dma_wait3A_549] : memref<5x128x128xf32, #tpu.memory_space<vmem>> -> memref<1x128x128xf32, #tpu.memory_space<vmem>>
    %dma_wait3A_551 = tpu.memref_squeeze %dma_wait3A_550 : memref<1x128x128xf32, #tpu.memory_space<vmem>> -> memref<128x128xf32, #tpu.memory_space<vmem>>
    tpu.wait_dma2 semaphore(%arg13 : memref<!tpu.dma_semaphore, #tpu.memory_space<semaphore_mem>>) src(%dma_wait3A_551 : memref<128x128xf32, #tpu.memory_space<vmem>>) dst(%dma_wait3A_547 : memref<128x128xf32, #tpu.memory_space<hbm>>)
    %add3A_552 = arith.constant 128 : i32
    %add3A_553 = arith.addi %mul3A_2, %add3A_552 : i32
    %dma_wait3A_554 = arith.constant 2 : i32
    %dma_wait3A_555 = arith.constant 49 : i32
    %dma_wait3A_556 = arith.constant 0 : i32
    %dma_wait3A_557 = arith.constant 0 : i32
    %dma_wait3A_558 = tpu.memref_slice %arg6[%dma_wait3A_554, %dma_wait3A_556, %dma_wait3A_557] : memref<5x128x128xf32, #tpu.memory_space<vmem>> -> memref<1x128x128xf32, #tpu.memory_space<vmem>>
    %dma_wait3A_559 = tpu.memref_squeeze %dma_wait3A_558 : memref<1x128x128xf32, #tpu.memory_space<vmem>> -> memref<128x128xf32, #tpu.memory_space<vmem>>
    %dma_wait3A_560 = arith.constant 0 : i32
    %dma_wait3A_561 = tpu.memref_slice %arg4[%dma_wait3A_555, %add3A_553, %dma_wait3A_560] : memref<50x16384x128xf32, #tpu.memory_space<hbm>> -> memref<1x128x128xf32, #tpu.memory_space<hbm>>
    %dma_wait3A_562 = tpu.memref_squeeze %dma_wait3A_561 : memref<1x128x128xf32, #tpu.memory_space<hbm>> -> memref<128x128xf32, #tpu.memory_space<hbm>>
    %dma_wait3A_563 = arith.constant 0 : i32
    %dma_wait3A_564 = tpu.memref_slice %arg4[%dma_wait3A_555, %add3A_553, %dma_wait3A_563] : memref<50x16384x128xf32, #tpu.memory_space<hbm>> -> memref<1x128x128xf32, #tpu.memory_space<hbm>>
    %dma_wait3A_565 = tpu.memref_squeeze %dma_wait3A_564 : memref<1x128x128xf32, #tpu.memory_space<hbm>> -> memref<128x128xf32, #tpu.memory_space<hbm>>
    %dma_wait3A_566 = arith.constant 0 : i32
    %dma_wait3A_567 = arith.constant 0 : i32
    %dma_wait3A_568 = tpu.memref_slice %arg6[%dma_wait3A_554, %dma_wait3A_566, %dma_wait3A_567] : memref<5x128x128xf32, #tpu.memory_space<vmem>> -> memref<1x128x128xf32, #tpu.memory_space<vmem>>
    %dma_wait3A_569 = tpu.memref_squeeze %dma_wait3A_568 : memref<1x128x128xf32, #tpu.memory_space<vmem>> -> memref<128x128xf32, #tpu.memory_space<vmem>>
    tpu.wait_dma2 semaphore(%arg14 : memref<!tpu.dma_semaphore, #tpu.memory_space<semaphore_mem>>) src(%dma_wait3A_569 : memref<128x128xf32, #tpu.memory_space<vmem>>) dst(%dma_wait3A_565 : memref<128x128xf32, #tpu.memory_space<hbm>>)
    %add3A_570 = arith.constant 256 : i32
    %add3A_571 = arith.addi %mul3A_2, %add3A_570 : i32
    %dma_wait3A_572 = arith.constant 3 : i32
    %dma_wait3A_573 = arith.constant 49 : i32
    %dma_wait3A_574 = arith.constant 0 : i32
    %dma_wait3A_575 = arith.constant 0 : i32
    %dma_wait3A_576 = tpu.memref_slice %arg6[%dma_wait3A_572, %dma_wait3A_574, %dma_wait3A_575] : memref<5x128x128xf32, #tpu.memory_space<vmem>> -> memref<1x128x128xf32, #tpu.memory_space<vmem>>
    %dma_wait3A_577 = tpu.memref_squeeze %dma_wait3A_576 : memref<1x128x128xf32, #tpu.memory_space<vmem>> -> memref<128x128xf32, #tpu.memory_space<vmem>>
    %dma_wait3A_578 = arith.constant 0 : i32
    %dma_wait3A_579 = tpu.memref_slice %arg4[%dma_wait3A_573, %add3A_571, %dma_wait3A_578] : memref<50x16384x128xf32, #tpu.memory_space<hbm>> -> memref<1x128x128xf32, #tpu.memory_space<hbm>>
    %dma_wait3A_580 = tpu.memref_squeeze %dma_wait3A_579 : memref<1x128x128xf32, #tpu.memory_space<hbm>> -> memref<128x128xf32, #tpu.memory_space<hbm>>
    %dma_wait3A_581 = arith.constant 0 : i32
    %dma_wait3A_582 = tpu.memref_slice %arg4[%dma_wait3A_573, %add3A_571, %dma_wait3A_581] : memref<50x16384x128xf32, #tpu.memory_space<hbm>> -> memref<1x128x128xf32, #tpu.memory_space<hbm>>
    %dma_wait3A_583 = tpu.memref_squeeze %dma_wait3A_582 : memref<1x128x128xf32, #tpu.memory_space<hbm>> -> memref<128x128xf32, #tpu.memory_space<hbm>>
    %dma_wait3A_584 = arith.constant 0 : i32
    %dma_wait3A_585 = arith.constant 0 : i32
    %dma_wait3A_586 = tpu.memref_slice %arg6[%dma_wait3A_572, %dma_wait3A_584, %dma_wait3A_585] : memref<5x128x128xf32, #tpu.memory_space<vmem>> -> memref<1x128x128xf32, #tpu.memory_space<vmem>>
    %dma_wait3A_587 = tpu.memref_squeeze %dma_wait3A_586 : memref<1x128x128xf32, #tpu.memory_space<vmem>> -> memref<128x128xf32, #tpu.memory_space<vmem>>
    tpu.wait_dma2 semaphore(%arg15 : memref<!tpu.dma_semaphore, #tpu.memory_space<semaphore_mem>>) src(%dma_wait3A_587 : memref<128x128xf32, #tpu.memory_space<vmem>>) dst(%dma_wait3A_583 : memref<128x128xf32, #tpu.memory_space<hbm>>)
    %add3A_588 = arith.constant 384 : i32
    %add3A_589 = arith.addi %mul3A_2, %add3A_588 : i32
    %dma_wait3A_590 = arith.constant 4 : i32
    %dma_wait3A_591 = arith.constant 49 : i32
    %dma_wait3A_592 = arith.constant 0 : i32
    %dma_wait3A_593 = arith.constant 0 : i32
    %dma_wait3A_594 = tpu.memref_slice %arg6[%dma_wait3A_590, %dma_wait3A_592, %dma_wait3A_593] : memref<5x128x128xf32, #tpu.memory_space<vmem>> -> memref<1x128x128xf32, #tpu.memory_space<vmem>>
    %dma_wait3A_595 = tpu.memref_squeeze %dma_wait3A_594 : memref<1x128x128xf32, #tpu.memory_space<vmem>> -> memref<128x128xf32, #tpu.memory_space<vmem>>
    %dma_wait3A_596 = arith.constant 0 : i32
    %dma_wait3A_597 = tpu.memref_slice %arg4[%dma_wait3A_591, %add3A_589, %dma_wait3A_596] : memref<50x16384x128xf32, #tpu.memory_space<hbm>> -> memref<1x128x128xf32, #tpu.memory_space<hbm>>
    %dma_wait3A_598 = tpu.memref_squeeze %dma_wait3A_597 : memref<1x128x128xf32, #tpu.memory_space<hbm>> -> memref<128x128xf32, #tpu.memory_space<hbm>>
    %dma_wait3A_599 = arith.constant 0 : i32
    %dma_wait3A_600 = tpu.memref_slice %arg4[%dma_wait3A_591, %add3A_589, %dma_wait3A_599] : memref<50x16384x128xf32, #tpu.memory_space<hbm>> -> memref<1x128x128xf32, #tpu.memory_space<hbm>>
    %dma_wait3A_601 = tpu.memref_squeeze %dma_wait3A_600 : memref<1x128x128xf32, #tpu.memory_space<hbm>> -> memref<128x128xf32, #tpu.memory_space<hbm>>
    %dma_wait3A_602 = arith.constant 0 : i32
    %dma_wait3A_603 = arith.constant 0 : i32
    %dma_wait3A_604 = tpu.memref_slice %arg6[%dma_wait3A_590, %dma_wait3A_602, %dma_wait3A_603] : memref<5x128x128xf32, #tpu.memory_space<vmem>> -> memref<1x128x128xf32, #tpu.memory_space<vmem>>
    %dma_wait3A_605 = tpu.memref_squeeze %dma_wait3A_604 : memref<1x128x128xf32, #tpu.memory_space<vmem>> -> memref<128x128xf32, #tpu.memory_space<vmem>>
    tpu.wait_dma2 semaphore(%arg16 : memref<!tpu.dma_semaphore, #tpu.memory_space<semaphore_mem>>) src(%dma_wait3A_605 : memref<128x128xf32, #tpu.memory_space<vmem>>) dst(%dma_wait3A_601 : memref<128x128xf32, #tpu.memory_space<hbm>>)
    return
  }
}

</mosaic_0001>

<sc_bundles>
// kernel: kernel.3.cloned.1.call-start
scs
__scs_entry_jumppad:
0x0: {  	(pc) =	sbr.rel $0x88, $3  }
0x1: {  	(tag) =	ssettag $0x0;
	lr =	simm.s32 $0x1  }
0x2: {  	[smem:$0x3F9F] =	sst lr;
	_ =	strace $0xD0000000  }
0x3: {  	_ = 	snop  }
0x4: {  	_ = 	snop  }
0x5: {  	_ = 	snop  }
0x6: {  	_ = 	snop  }
0x7: {  	_ = 	snop  }
__scs_overlays_trampoline_lowered:
0x8: {  	[smem:$0x3FAE] =	sst s0  }
0x9: {  	[smem:$0x3FAF] =	sst s1  }
0xa: {  	[smem:$0x3FB0] =	sst s2  }
0xb: {  	[smem:$0x3FB1] =	sst s3  }
0xc: {  	[smem:$0x3FB2] =	sst s4  }
0xd: {  	[smem:$0x3FB3] =	sst s5  }
0xe: {  	[smem:$0x3FB4] =	sst s6  }
0xf: {  	[smem:$0x3FB5] =	sst s7  }
0x10: {  	[smem:$0x3FB6] =	sst s8  }
0x11: {  	[smem:$0x3FB7] =	sst s9;
	s0 =	simm.s32 @!p0 $0x0  }
0x12: {  	s1 =	sld [smem:$0x3F9D];
	s0 =	simm.s32 @p0 $0x1  }
0x13: {  	[smem:$0x3FB8] =	sst s0;
	s0 =	simm.s32 @!p1 $0x0  }
0x14: {  	s2 =	sld [smem:$0x3F9C];
	s0 =	simm.s32 @p1 $0x1  }
0x15: {  	[smem:$0x3FB9] =	sst s0;
	s0 =	simm.s32 @!p2 $0x0  }
0x16: {  	s3 =	sld [smem:$0x3FDB];
	s0 =	simm.s32 @p2 $0x1  }
0x17: {  	s4 =	simm.s32 $0x1BF5;
	[smem:$0x3FBB] =	sst s0  }
0x18: {  	s0 =	sld [smem:$0x3F9E];
	_ =	swait.ge [sflag:s4], $0x0  }
0x19: {  	s7 =	sld [smem:$0x3F9F]  }
0x1a: {  	s8 =	sadd.s32 $0xFFFFE003, lr  }
0x1b: {  	s9 =	sadd.s32 $0xFFFFFEF7, lr;
	s5 =	simm.s32 $0xFFFFFFFF;
	p2 =	slt.u32 s8, $0xFFFFF086  }
0x1c: {  	p1 =	slt.u32 s9, $0xF7A;
	s5 =	simm.s32 @!p2 $0x0  }
0x1d: {  	s5 =	simm.s32 @p1 $0x1;
	p0 =	seq.s32 s7, s2  }
0x1e: {  	s7 =	smul.u32 @!p0 $0xF7A, s2;
	p2 =	seq.s32 @!p0 s5, $0x0  }
0x1f: {  	s9 =	smul.u32 $0xF7A, s1;
	s8 =	simm.s32 @!p0 $0x1BF5;
	p2 =	por !p2, p0  }
0x20: {  	[sflag:s8] =	ssyncset.s32 @!p0 $0xFFFFF086;
	s6 =	sadd.s32 @!p0 s3, s7;
	s7 =	simm.s32 @!p0 $0x108  }
0x21: {  	s3 =	sadd.s32 s3, s9;
	s6 =	sadd.s32 @!p0 $0x88, s6;
	s7 =	simm.s32 @p2 $0x1082  }
0x22: {  	[simem:s7], [sflag:s8] =	dma.local @!p0 [hbm:s6], $0xF7A  }
0x23: {  	s9 =	sor.u32 $0xD0000000, s2;
	s6 =	simm.s32 $0x108;
	_ =	swait.ge @!p0 [sflag:s8], $0x0  }
0x24: {  	s3 =	sadd.s32 $0x88, s3;
	s6 =	simm.s32 @!p1 $0x1082;
	[sflag:s4] =	ssyncset.s32 $0xFFFFF086  }
0x25: {  	[simem:s6], [sflag:s4] =	dma.local [hbm:s3], $0xF7A  }
0x26: {  	[smem:$0x3F9F] =	sst s1;
	(tag) =	ssettag s2;
	_ =	strace s9  }
0x27: {  	s1 =	sld [smem:$0x3FAF]  }
0x28: {  	s2 =	sld [smem:$0x3FB0]  }
0x29: {  	s4 =	sld [smem:$0x3FB2]  }
0x2a: {  	p0 =	seq.s32 s5, $0x0;
	s5 =	sld [smem:$0x3FB3]  }
0x2b: {  	s6 =	sld [smem:$0x3FB4]  }
0x2c: {  	s7 =	sld [smem:$0x3FB5]  }
0x2d: {  	s3 =	simm.s32 $0x108;
	s8 =	sld [smem:$0x3FB6]  }
0x2e: {  	s3 =	simm.s32 @!p0 $0x1082;
	s9 =	sld [smem:$0x3FB7]  }
0x2f: {  	lr =	sadd.s32 s0, s3;
	s0 =	sld [smem:$0x3FAE]  }
0x30: {  	s3 =	sld [smem:$0x3FB1]  }
0x31: {  	[smem:$0x3FBA] =	sst s10  }
0x32: {  	s10 =	sld [smem:$0x3FB8];
	_ =	sdelay $0x3  }
0x33: {  	p0 =	seq.s32 s10, $0x1;
	s10 =	sld [smem:$0x3FBA];
	_ =	sdelay $0x3  }
0x34: {  	[smem:$0x3FBA] =	sst s10  }
0x35: {  	s10 =	sld [smem:$0x3FB9];
	_ =	sdelay $0x3  }
0x36: {  	p1 =	seq.s32 s10, $0x1;
	s10 =	sld [smem:$0x3FBA];
	_ =	sdelay $0x3  }
0x37: {  	[smem:$0x3FBA] =	sst s10  }
0x38: {  	s10 =	sld [smem:$0x3FBB]  }
0x39: {  	_ = 	snop;
	(pc) =	sbr.ind lr, $3  }
0x3a: {  	_ = 	snop  }
0x3b: {  	_ = 	snop  }
0x3c: {  	p2 =	seq.s32 s10, $0x1;
	s10 =	sld [smem:$0x3FBA]  }
0x3d: {  	_ =	shalt  }
0x3e: {  	_ =	shalt  }
0x3f: {  	_ =	shalt  }
0x40: {  	_ =	shalt  }
0x41: {  	_ =	shalt  }
0x42: {  	_ =	shalt  }
0x43: {  	_ =	shalt  }
0x44: {  	_ =	shalt  }
0x45: {  	_ =	shalt  }
0x46: {  	_ =	shalt  }
0x47: {  	_ =	shalt  }
0x48: {  	_ =	shalt  }
0x49: {  	_ =	shalt  }
0x4a: {  	_ =	shalt  }
0x4b: {  	_ =	shalt  }
0x4c: {  	_ =	shalt  }
0x4d: {  	_ =	shalt  }
0x4e: {  	_ =	shalt  }
0x4f: {  	_ =	shalt  }
0x50: {  	_ =	shalt  }
0x51: {  	_ =	shalt  }
0x52: {  	_ =	shalt  }
0x53: {  	_ =	shalt  }
0x54: {  	_ =	shalt  }
0x55: {  	_ =	shalt  }
0x56: {  	_ =	shalt  }
0x57: {  	_ =	shalt  }
0x58: {  	_ =	shalt  }
0x59: {  	_ =	shalt  }
0x5a: {  	_ =	shalt  }
0x5b: {  	_ =	shalt  }
0x5c: {  	_ =	shalt  }
0x5d: {  	_ =	shalt  }
0x5e: {  	_ =	shalt  }
0x5f: {  	_ =	shalt  }
0x60: {  	_ =	shalt  }
0x61: {  	_ =	shalt  }
0x62: {  	_ =	shalt  }
0x63: {  	_ =	shalt  }
0x64: {  	_ =	shalt  }
0x65: {  	_ =	shalt  }
0x66: {  	_ =	shalt  }
0x67: {  	_ =	shalt  }
0x68: {  	_ =	shalt  }
0x69: {  	_ =	shalt  }
0x6a: {  	_ =	shalt  }
0x6b: {  	_ =	shalt  }
0x6c: {  	_ =	shalt  }
0x6d: {  	_ =	shalt  }
0x6e: {  	_ =	shalt  }
0x6f: {  	_ =	shalt  }
0x70: {  	_ =	shalt  }
0x71: {  	_ =	shalt  }
0x72: {  	_ =	shalt  }
0x73: {  	_ =	shalt  }
0x74: {  	_ =	shalt  }
0x75: {  	_ =	shalt  }
0x76: {  	_ =	shalt  }
0x77: {  	_ =	shalt  }
0x78: {  	_ =	shalt  }
0x79: {  	_ =	shalt  }
0x7a: {  	_ =	shalt  }
0x7b: {  	_ =	shalt  }
0x7c: {  	_ =	shalt  }
0x7d: {  	_ =	shalt  }
0x7e: {  	_ =	shalt  }
0x7f: {  	_ =	shalt  }
0x80: {  	_ =	shalt  }
0x81: {  	_ =	shalt  }
0x82: {  	_ =	shalt  }
0x83: {  	_ =	shalt  }
0x84: {  	_ =	shalt  }
0x85: {  	_ =	shalt  }
0x86: {  	_ =	shalt  }
0x87: {  	_ =	shalt  }
.Lfunc_end0:
.L_simem_size_0:
called_computation_lowered:
.L_overlay_start_0:
0x88: {  	s2 =	sld [smem:$0x3FD9]  }
0x89: {  	s3 =	sld [smem:$0x3FFE];
	_ =	sdelay $0x1  }
0x8a: {  	s1 =	srdreg.scid  }
0x8b: {  	s0 =	sand.u32 $0x1, s1  }
0x8c: {  	s18 =	sshll.u32 s0, $0xA;
	s2 =	sadd.s32 s3, s2  }
0x8d: {  	s2 =	sadd.s32 s2, s18  }
0x8e: {  	[smem:$0x3FC6] =	sst s2  }
0x8f: {  	_ = 	snop  }
0x90: {  	s2 =	sld [smem:$0x3FC9]  }
0x91: {  	s19 =	sld [smem:$0x3FC8]  }
0x92: {  	s4 =	sld [smem:$0x3FD0];
	(tm) =	ssettm $0x1  }
0x93: {  	s5 =	sld [smem:$0x3FFB];
	_ =	sdelay $0x3  }
0x94: {  	_ =	strace s5  }
0x95: {  	s5 =	sld [smem:$0x3FFC];
	_ =	sdelay $0x3  }
0x96: {  	_ =	strace s5  }
0x97: {  	s5 =	sld [smem:$0x3FFD];
	_ =	sdelay $0x3  }
0x98: {  	_ =	strace s5  }
0x99: {  	_ =	strace $0x8FFFFFFF  }
0x9a: {  	s20 =	sld [smem:$0x3FDB];
	_ =	sdelay $0x1  }
0x9b: {  	s6 =	simm.s32 $_scs_section_size  }
0x9c: {  	s7 =	simm.s32 $_size__tile_overlayer_lowered;
	s8 =	simm.s32 $_tile_overlayer_lowered  }
0x9d: {  	s23 =	simm.s32 $0x1BFF;
	s22 =	sshll.u32 s8, $0x1;
	s5 =	sadd.s32 s6, s20  }
0x9e: {  	s9 =	simm.s32 $0x0;
	s21 =	sshll.u32 s7, $0x1;
	s7 =	sadd.s32 s22, s5  }
0x9f: {  	[timem:s9], [sflag:s23] =	dma.local [hbm:s7], s21  }
0xa0: {  	_ =	swait.ge [sflag:s23], s21  }
0xa1: {  	s6 =	ssub.s32 $0x0, s21;
	[sflag:s23] =	ssyncset.done $0x0  }
0xa2: {  	[sflag:s23] =	ssyncadd.s32 s6;
	_ =	sdelay $0x1  }
0xa3: {  	s24 =	simm.s32 $0x1B8B  }
0xa4: {  	_ =	swait.ge [sflag:s24], $0x1  }
0xa5: {  	[sflag:s24] =	ssyncset.done $0x0  }
0xa6: {  	s25 =	simm.s32 $0x1B8E;
	[sflag:s24] =	ssyncadd.s32 $0xFFFFFFFF  }
0xa7: {  	s26 =	simm.s32 $execute0_lowered;
	[smem:$0x3FD2] =	sst s25  }
0xa8: {  	s6 =	sshll.u32 s26, $0x1;
	_ =	strace $0x80000046;
	[dreg:$0x1] =	wrdreg $0xFFFFFFFF  }
0xa9: {  	s28 =	simm.s32 $_size_execute0_lowered;
	s5 =	sadd.s32 s5, s6;
	[dreg:$0x0] =	wrdreg $0x0  }
0xaa: {  	s6 =	sshll.u32 s28, $0x1;
	[dreg:$0x2] =	wrdreg s5  }
0xab: {  	[dreg:$0x3] =	wrdreg s6  }
0xac: {  	[dreg:$0x4] =	wrdreg $0xC0  }
0xad: {  	_ =	task [dreg:s9], $0x5FFFF  }
0xae: {  	[dreg:$0x1] =	wrdreg $0xFFFFFFFF  }
0xaf: {  	[dreg:$0x0] =	wrdreg $0x60  }
0xb0: {  	[dreg:$0x2] =	wrdreg s2  }
0xb1: {  	[dreg:$0x3] =	wrdreg s19  }
0xb2: {  	[dreg:$0x4] =	wrdreg s4  }
0xb3: {  	[dreg:$0x5] =	wrdreg $0x9  }
0xb4: {  	_ =	task.clear_ibuf [dreg:s9], $0x6FFFF;
	_ =	strace $0x90000046  }
0xb5: {  	s29 =	simm.s32 $0x9;
	_ =	strace $0x80000048  }
0xb6: {  	_ =	swait.ge [sflag:s29], $0x1  }
0xb7: {  	[sflag:s29] =	ssyncadd.s32 $0xFFFFFFFF  }
0xb8: {  	_ =	strace $0x90000048  }
0xb9: {  	_ =	sfence  }
0xba: {  	s30 =	sld [smem:$0x0];
	_ =	sdelay $0x2  }
0xbb: {  	s31 =	sshll.u32 s1, $0xD;
	s1 =	sshrl.u32 s1, $0x2  }
0xbc: {  	s3 =	sand.u32 $0x4000, s31;
	s1 =	sadd.s32 s1, s30  }
0xbd: {  	s0 =	sor.u32 s3, s0;
	s1 =	sshll.u32 s1, $0x11  }
0xbe: {  	s0 =	sor.u32 s1, s0  }
0xbf: {  	s0 =	sadd.s32 $0x8F2B, s0  }
0xc0: {  	[sflag:s0] =	ssyncadd.remote.s32 $0x1  }
0xc1: {  	_ =	sfence.sel $0xFFFF  }
0xc2: {  	[dreg:$0x0] =	wrdreg $0xFFFFFFFF;
	(pc) =	sbr.abs _section_cstart, $3  }
0xc3: {  	[dreg:$0x1] =	wrdreg $0xFFFFFFFF  }
0xc4: {  	_ =	task.clear_ibuf [dreg:s9], $0x2FFFF;
	_ =	strace $0x9FFFFFFF  }
0xc5: {  	(tm) =	ssettm $0x7FFFFFFF  }
tec
execute0_lowered:
.L_overlay_start_1:
0x0: {  	(tag) =	ssettag $0x1  }
0x1: {  	s0 =	rddreg [dreg:$0x0]  }
0x2: {  	s1 =	srdreg.scid;
	s2 =	rddreg [dreg:$0x1]  }
0x3: {  	s4 =	stileid.u32;
	s3 =	rddreg [dreg:$0x2]  }
0x4: {  	s1 =	sand.u32 $0x1, s1;
	s5 =	sshll.u32 s4, $0xA;
	s4 =	simm.s32 $0x0  }
0x5: {  	s6 =	sshll.u32 s1, $0x9;
	[smem:$0x7FF] =	sst s4  }
0x6: {  	s1 =	ssub.s32 $0x2, s1;
	s5 =	sor.u32 s6, s5;
	_ =	strace $0x80000047  }
0x7: {  	s7 =	sshrl.u32 s1, $0x1;
	s6 =	sshll.u32 s5, $0x4;
	s0 =	sadd.s32 s0, s5  }
0x8: {  	s1 =	ssub.s32 s1, s7;
	s6 =	sadd.s32 s3, s6;
	[dreg:$0x5] =	wrdreg s0  }
0x9: {  	s30 =	smax.u32 s1, $0x1;
	[dreg:$0x4] =	wrdreg s6  }
0xa: {  	s20 =	sadd.s32 $0x800, s6;
	[dreg:$0xf] =	wrdreg s30  }
0xb: {  	s21 =	sadd.s32 $0x1000, s6;
	[dreg:$0x6] =	wrdreg s20  }
0xc: {  	s22 =	sadd.s32 $0x1800, s6;
	[dreg:$0x7] =	wrdreg s21  }
0xd: {  	s23 =	sadd.s32 $0xC01800, s6;
	[dreg:$0x8] =	wrdreg s22  }
0xe: {  	s8 =	simm.s32 $0xA;
	s24 =	sadd.s32 $0x40000, s6;
	[dreg:$0x9] =	wrdreg s23  }
0xf: {  	s31 =	simm.s32 $0xF000;
	s25 =	sadd.s32 $0xC40000, s6;
	[dreg:$0xa] =	wrdreg s24  }
0x10: {  	s7 =	simm.s32 $0x80;
	s26 =	sadd.s32 $0xC40800, s6;
	[dreg:$0xb] =	wrdreg s25  }
0x11: {  	s0 =	simm.s32 $0x8;
	s28 =	sadd.s32 $0xC41000, s6;
	[dreg:$0xc] =	wrdreg s26  }
0x12: {  	s1 =	simm.s32 $0x0;
	s29 =	sadd.s32 $0xC41800, s6;
	[dreg:$0xd] =	wrdreg s28  }
0x13: {  	[dreg:$0xe] =	wrdreg s29;
	s26 =	simm.s32 $0x5;
	s23 =	simm.s32 $0x9  }
.LBB2_1:
0x14: {  	[dreg:$0x10] =	wrdreg s1  }
0x15: {  	s6 =	rddreg [dreg:$0x5]  }
0x16: {  	s9 =	simm.s32 $0x1000;
	s10 =	simm.s32 $0x20000;
	s28 =	simm.s32 $0xB  }
0x17: {  	[tilespmem:s4], [sflag:$0xB] =	stream.strided.gather [hbm4b:s6+s9], $0x7000, s10, s9, $0x38;
	[tilespmem:$0x1B000] =	vst v63  }
0x18: {  	_ =	swait.ge [sflag:s28], $0x7000  }
0x19: {  	[sflag:s28] =	ssyncset.done $0x0  }
0x1a: {  	s20 =	simm.s32 $0x7000;
	[sflag:s28] =	ssyncadd.s32 $0xFFFF9000  }
0x1b: {  	[tilespmem:s20], [sflag:$0x1] =	stream.indirect.gather [hbm4b:s2+s7], $0x80, s4, s7, $0xb8;
	[tilespmem:$0x1B000] =	vst v63  }
0x1c: {  	s21 =	simm.s32 $0xB000;
	s9 =	simm.s32 $0x400  }
0x1d: {  	[tilespmem:s21], [sflag:$0x2] =	stream.indirect.gather [hbm4b:s2+s7], $0x80, s9, s7, $0xb8;
	[tilespmem:$0x1B000] =	vst v63  }
0x1e: {  	s29 =	simm.s32 $0x800;
	s22 =	simm.s32 $0xF000;
	s17 =	simm.s32 $0x1  }
0x1f: {  	[tilespmem:s22], [sflag:$0x3] =	stream.indirect.gather [hbm4b:s2+s7], $0x80, s29, s7, $0xb8;
	[tilespmem:$0x1B000] =	vst v63  }
0x20: {  	_ =	swait.ge [sflag:s17], $0x4000  }
0x21: {  	[sflag:s17] =	ssyncset.done $0x0  }
0x22: {  	s30 =	rddreg [dreg:$0x4];
	[sflag:s17] =	ssyncadd.s32 $0xFFFFC000  }
0x23: {  	[hbm4b:s30+s4] =	stream.linear.scatter [tilespmem:s20], [sflag:$0x6], $0x4000, $0x38;
	[tilespmem:$0x1B000] =	vst v63  }
0x24: {  	s1 =	simm.s32 $0xC00;
	s24 =	simm.s32 $0x13000  }
0x25: {  	[tilespmem:s24], [sflag:$0x4] =	stream.indirect.gather [hbm4b:s2+s7], $0x80, s1, s7, $0xb8;
	[tilespmem:$0x1B000] =	vst v63  }
0x26: {  	s1 =	simm.s32 $0x2  }
0x27: {  	_ =	swait.ge [sflag:s1], $0x4000  }
0x28: {  	[sflag:s1] =	ssyncset.done $0x0  }
0x29: {  	s10 =	rddreg [dreg:$0x6];
	[sflag:s1] =	ssyncadd.s32 $0xFFFFC000  }
0x2a: {  	[hbm4b:s10+s4] =	stream.linear.scatter [tilespmem:s21], [sflag:$0x7], $0x4000, $0x38;
	[tilespmem:$0x1B000] =	vst v63  }
0x2b: {  	s18 =	simm.s32 $0x17000;
	s19 =	simm.s32 $0x3  }
0x2c: {  	[tilespmem:s18], [sflag:$0x5] =	stream.indirect.gather [hbm4b:s2+s7], $0x80, s7, s7, $0xb8;
	[tilespmem:$0x1B000] =	vst v63  }
0x2d: {  	_ =	swait.ge [sflag:s19], $0x4000  }
0x2e: {  	[sflag:s19] =	ssyncset.done $0x0  }
0x2f: {  	s25 =	simm.s32 $0x6;
	s11 =	rddreg [dreg:$0x7];
	[sflag:s19] =	ssyncadd.s32 $0xFFFFC000  }
0x30: {  	[hbm4b:s11+s4] =	stream.linear.scatter [tilespmem:s22], [sflag:$0x8], $0x4000, $0x38;
	[tilespmem:$0x1B000] =	vst v63  }
0x31: {  	_ =	swait.ge [sflag:s25], $0x4000  }
0x32: {  	[sflag:s25] =	ssyncset.done $0x0  }
0x33: {  	s12 =	simm.s32 $0x480;
	s28 =	simm.s32 $0x4;
	[sflag:s25] =	ssyncadd.s32 $0xFFFFC000  }
0x34: {  	[tilespmem:s20], [sflag:$0x1] =	stream.indirect.gather [hbm4b:s2+s7], $0x80, s12, s7, $0xb8;
	[tilespmem:$0x1B000] =	vst v63  }
0x35: {  	_ =	swait.ge [sflag:s28], $0x4000  }
0x36: {  	[sflag:s28] =	ssyncset.done $0x0  }
0x37: {  	s29 =	simm.s32 $0x7;
	s13 =	rddreg [dreg:$0x8];
	[sflag:s28] =	ssyncadd.s32 $0xFFFFC000  }
0x38: {  	[hbm4b:s13+s4] =	stream.linear.scatter [tilespmem:s24], [sflag:$0x9], $0x4000, $0x38;
	[tilespmem:$0x1B000] =	vst v63  }
0x39: {  	_ =	swait.ge [sflag:s29], $0x4000  }
0x3a: {  	[sflag:s29] =	ssyncset.done $0x0  }
0x3b: {  	s14 =	simm.s32 $0x880;
	[sflag:s29] =	ssyncadd.s32 $0xFFFFC000  }
0x3c: {  	[tilespmem:s21], [sflag:$0x2] =	stream.indirect.gather [hbm4b:s2+s7], $0x80, s14, s7, $0xb8;
	[tilespmem:$0x1B000] =	vst v63  }
0x3d: {  	s16 =	simm.s32 $0xC80;
	s9 =	sand.u32 $0x180, s9;
	_ =	swait.ge [sflag:s26], $0x4000  }
0x3e: {  	s30 =	simm.s32 $0x100;
	s10 =	simm.s32 $0x3000;
	[sflag:s26] =	ssyncset.done $0x0  }
0x3f: {  	s11 =	simm.s32 $0x280000;
	s15 =	rddreg [dreg:$0xa];
	[sflag:s26] =	ssyncadd.s32 $0xFFFFC000  }
0x40: {  	[hbm4b:s15+s4] =	stream.linear.scatter [tilespmem:s18], [sflag:$0xA], $0x4000, $0x38;
	[tilespmem:$0x1B000] =	vst v63  }
0x41: {  	s12 =	simm.s32 $0x70000;
	s14 =	sand.u32 $0x180, s7;
	_ =	swait.ge [sflag:s0], $0x4000  }
0x42: {  	s13 =	simm.s32 $0x11;
	s6 =	sor.u32 s5, s14;
	[sflag:s0] =	ssyncset.done $0x0  }
0x43: {  	s14 =	sshll.u32 s14, $0x3;
	s15 =	sand.u32 $0xFE00000, s11;
	[sflag:s0] =	ssyncadd.s32 $0xFFFFC000  }
0x44: {  	[tilespmem:s22], [sflag:$0x3] =	stream.indirect.gather [hbm4b:s2+s7], $0x80, s16, s7, $0xb8;
	[tilespmem:$0x1B000] =	vst v63  }
0x45: {  	s16 =	sshll.u32 s6, $0x7;
	s6 =	sshll.u32 s6, $0x4;
	_ =	swait.ge [sflag:s17], $0x4000  }
0x46: {  	s15 =	sor.u32 s15, s16;
	s16 =	sshll.u32 s9, $0x3;
	s9 =	sor.u32 s5, s9  }
0x47: {  	[sflag:s17] =	ssyncset.done $0x0;
	s15 =	sshrl.u32 s15, $0x3;
	s9 =	sshll.u32 s9, $0x4  }
0x48: {  	[sflag:s17] =	ssyncadd.s32 $0xFFFFC000;
	s15 =	sadd.s32 s3, s15;
	s17 =	simm.s32 $0x400  }
0x49: {  	[hbm4b:s15+s4] =	stream.linear.scatter [tilespmem:s20], [sflag:$0x6], $0x4000, $0x38;
	[tilespmem:$0x1B000] =	vst v63  }
0x4a: {  	s15 =	sand.u32 $0x1F000, s17;
	s17 =	sand.u32 $0x380, s30;
	s30 =	simm.s32 $0x60000  }
0x4b: {  	_ =	swait.ge [sflag:s23], $0x4000;
	s15 =	sor.u32 s16, s15;
	s16 =	simm.s32 $0x300  }
0x4c: {  	[sflag:s23] =	ssyncset.done $0x0;
	s15 =	sor.u32 s17, s15;
	s16 =	sand.u32 $0x180, s16  }
0x4d: {  	s17 =	sand.u32 $0x3FC0000, s30;
	[sflag:s23] =	ssyncadd.s32 $0xFFFFC000;
	s16 =	sor.u32 s5, s16  }
0x4e: {  	[tilespmem:s24], [sflag:$0x4] =	stream.indirect.gather [hbm4b:s2+s7], $0x80, s15, s7, $0xb8;
	[tilespmem:$0x1B000] =	vst v63  }
0x4f: {  	s30 =	simm.s32 $0x480;
	s17 =	sadd.s32 s3, s17;
	s16 =	sshll.u32 s16, $0x4  }
0x50: {  	s15 =	sand.u32 $0x3FC0000, s12;
	_ =	swait.ge [sflag:s1], $0x4000;
	s16 =	sadd.s32 s16, s17  }
0x51: {  	s17 =	sand.u32 $0x1F000, s30;
	s30 =	simm.s32 $0x80000;
	s15 =	sadd.s32 s3, s15  }
0x52: {  	[sflag:s1] =	ssyncset.done $0x0;
	s14 =	sor.u32 s14, s17;
	s17 =	sand.u32 $0xFFFC0000, s30  }
0x53: {  	s30 =	simm.s32 $0x2800;
	[sflag:s1] =	ssyncadd.s32 $0xFFFFC000;
	s1 =	simm.s32 $0x120  }
0x54: {  	[hbm4b:s16+s4] =	stream.linear.scatter [tilespmem:s21], [sflag:$0x7], $0x4000, $0x38;
	[tilespmem:$0x1B000] =	vst v63  }
0x55: {  	s16 =	sand.u32 $0x380, s1;
	s1 =	simm.s32 $0x380;
	_ =	swait.ge [sflag:s8], $0x4000  }
0x56: {  	s14 =	sor.u32 s16, s14;
	s16 =	sand.u32 $0x180, s1;
	[sflag:s8] =	ssyncset.done $0x0  }
0x57: {  	s1 =	simm.s32 $0x140;
	s16 =	sor.u32 s5, s16;
	[sflag:s8] =	ssyncadd.s32 $0xFFFFC000  }
0x58: {  	[tilespmem:s18], [sflag:$0x5] =	stream.indirect.gather [hbm4b:s2+s7], $0x80, s14, s7, $0xb8;
	[tilespmem:$0x1B000] =	vst v63  }
0x59: {  	s16 =	sshll.u32 s16, $0x4;
	s14 =	sadd.s32 s3, s17;
	_ =	swait.ge [sflag:s19], $0x4000  }
0x5a: {  	s18 =	simm.s32 $0x500;
	s15 =	sadd.s32 s16, s15;
	[sflag:s19] =	ssyncset.done $0x0  }
0x5b: {  	s17 =	sand.u32 $0xC00, s30;
	s30 =	simm.s32 $0x600;
	[sflag:s19] =	ssyncadd.s32 $0xFFFFC000  }
0x5c: {  	[hbm4b:s15+s4] =	stream.linear.scatter [tilespmem:s22], [sflag:$0x8], $0x4000, $0x38;
	[tilespmem:$0x1B000] =	vst v63  }
0x5d: {  	s9 =	sadd.s32 s9, s14;
	s19 =	sand.u32 $0x1F000, s18;
	_ =	swait.ge [sflag:s25], $0x4000  }
0x5e: {  	s15 =	sand.u32 $0x380, s1;
	s16 =	sor.u32 s17, s19;
	[sflag:s25] =	ssyncset.done $0x0  }
0x5f: {  	s22 =	simm.s32 $0x2C00;
	s18 =	sor.u32 s15, s16;
	[sflag:s25] =	ssyncadd.s32 $0xFFFFC000  }
0x60: {  	[tilespmem:s20], [sflag:$0x1] =	stream.indirect.gather [hbm4b:s2+s7], $0x80, s18, s7, $0xb8;
	[tilespmem:$0x1B000] =	vst v63  }
0x61: {  	s19 =	simm.s32 $0x90000;
	s16 =	sand.u32 $0xC00, s22;
	_ =	swait.ge [sflag:s28], $0x4000  }
0x62: {  	s14 =	sand.u32 $0xFFFC0000, s19;
	s15 =	simm.s32 $0x100;
	[sflag:s28] =	ssyncset.done $0x0  }
0x63: {  	s25 =	simm.s32 $0x580;
	s20 =	sadd.s32 s3, s6;
	[sflag:s28] =	ssyncadd.s32 $0xFFFFC000  }
0x64: {  	[hbm4b:s9+s4] =	stream.linear.scatter [tilespmem:s24], [sflag:$0x9], $0x4000, $0x38;
	[tilespmem:$0x1B000] =	vst v63  }
0x65: {  	s17 =	sand.u32 $0x1F000, s25;
	s28 =	simm.s32 $0x160;
	_ =	swait.ge [sflag:s29], $0x4000  }
0x66: {  	s16 =	sor.u32 s16, s17;
	s9 =	sand.u32 $0x380, s28;
	[sflag:s29] =	ssyncset.done $0x0  }
0x67: {  	s6 =	simm.s32 $0x180;
	s9 =	sor.u32 s9, s16;
	[sflag:s29] =	ssyncadd.s32 $0xFFFFC000  }
0x68: {  	[tilespmem:s21], [sflag:$0x2] =	stream.indirect.gather [hbm4b:s2+s7], $0x80, s9, s7, $0xb8;
	[tilespmem:$0x1B000] =	vst v63  }
0x69: {  	s17 =	sand.u32 $0xC00, s10;
	s9 =	sadd.s32 s14, s20;
	_ =	swait.ge [sflag:s26], $0x4000  }
0x6a: {  	s20 =	sand.u32 $0x1F000, s30;
	s14 =	simm.s32 $0x680;
	[sflag:s26] =	ssyncset.done $0x0  }
.LBB2_2:
0x6b: {  	[sflag:s26] =	ssyncadd.s32 $0xFFFFC000;
	s10 =	sadd.s32 $0x1400, s10  }
0x6c: {  	s12 =	sadd.s32 $0x50000, s12;
	s16 =	smov.u32 s13;
	s19 =	simm.s32 $0x17000  }
0x6d: {  	p0 =	sne.s32 s13, $0xC5;
	s13 =	sadd.s32 $0x5, s13;
	s6 =	sand.u32 $0x380, s6  }
0x6e: {  	s11 =	sadd.s32 $0x280000, s11;
	s25 =	simm.s32 $0x1;
	s29 =	simm.s32 $0x7000  }
0x6f: {  	[hbm4b:s9+s4] =	stream.linear.scatter [tilespmem:s19], [sflag:$0xA], $0x4000, $0x38;
	[tilespmem:$0x1B000] =	vst v63  }
0x70: {  	s1 =	simm.s32 $0x13000;
	s18 =	simm.s32 $0x2;
	_ =	swait.ge [sflag:s0], $0x4000  }
0x71: {  	s9 =	sor.u32 s17, s20;
	s17 =	sadd.s32 $0xFFFFFFFD, s16;
	[sflag:s0] =	ssyncset.done $0x0  }
0x72: {  	s20 =	sand.u32 $0x3FC0000, s12;
	s6 =	sor.u32 s6, s9;
	[sflag:s0] =	ssyncadd.s32 $0xFFFFC000  }
0x73: {  	[tilespmem:s31], [sflag:$0x3] =	stream.indirect.gather [hbm4b:s2+s7], $0x80, s6, s7, $0xb8;
	[tilespmem:$0x1B000] =	vst v63  }
0x74: {  	s24 =	sand.u32 $0xFE00000, s11;
	s9 =	sand.u32 $0x180, s15;
	s21 =	sshll.u32 s17, $0x7  }
0x75: {  	s22 =	sshll.u32 s17, $0x5;
	s20 =	sadd.s32 s3, s20;
	s6 =	sor.u32 s5, s9  }
0x76: {  	s21 =	sand.u32 $0x1F000, s21;
	s9 =	sshll.u32 s9, $0x3;
	s28 =	sshll.u32 s6, $0x7  }
0x77: {  	s22 =	sand.u32 $0x380, s22;
	s9 =	sor.u32 s9, s21;
	s21 =	sor.u32 s24, s28  }
0x78: {  	s24 =	sadd.s32 $0xFFFFFFFC, s16;
	s28 =	sand.u32 $0x180, s14;
	_ =	swait.ge [sflag:s25], $0x4000  }
0x79: {  	s9 =	sor.u32 s22, s9;
	s21 =	sshrl.u32 s21, $0x3;
	[sflag:s25] =	ssyncset.done $0x0  }
0x7a: {  	s30 =	sshll.u32 s28, $0x3;
	s21 =	sadd.s32 s3, s21;
	[sflag:s25] =	ssyncadd.s32 $0xFFFFC000  }
0x7b: {  	[hbm4b:s21+s4] =	stream.linear.scatter [tilespmem:s29], [sflag:$0x6], $0x4000, $0x38;
	[tilespmem:$0x1B000] =	vst v63  }
0x7c: {  	s25 =	sshll.u32 s24, $0x5;
	s21 =	sshll.u32 s24, $0x7;
	_ =	swait.ge [sflag:s23], $0x4000  }
0x7d: {  	s25 =	sand.u32 $0x380, s25;
	s21 =	sand.u32 $0x1F000, s21;
	[sflag:s23] =	ssyncset.done $0x0  }
0x7e: {  	s21 =	sor.u32 s30, s21;
	s30 =	sadd.s32 $0xFFFFFF00, s14;
	[sflag:s23] =	ssyncadd.s32 $0xFFFFC000  }
0x7f: {  	s21 =	sor.u32 s25, s21;
	s25 =	sadd.s32 $0xFFFF0000, s12;
	s30 =	sand.u32 $0x180, s30  }
0x80: {  	s24 =	sshll.u32 s24, $0x10;
	s25 =	sand.u32 $0x3FC0000, s25;
	s30 =	sor.u32 s5, s30  }
0x81: {  	[tilespmem:s1], [sflag:$0x4] =	stream.indirect.gather [hbm4b:s2+s7], $0x80, s21, s7, $0xb8;
	[tilespmem:$0x1B000] =	vst v63  }
0x82: {  	s25 =	sadd.s32 s3, s25;
	s21 =	sshll.u32 s30, $0x4;
	_ =	swait.ge [sflag:s18], $0x4000  }
0x83: {  	s24 =	sand.u32 $0xFFFC0000, s24;
	s21 =	sadd.s32 s21, s25;
	[sflag:s18] =	ssyncset.done $0x0  }
0x84: {  	s25 =	sor.u32 s5, s28;
	s28 =	simm.s32 $0xB000;
	[sflag:s18] =	ssyncadd.s32 $0xFFFFC000  }
0x85: {  	[hbm4b:s21+s4] =	stream.linear.scatter [tilespmem:s28], [sflag:$0x7], $0x4000, $0x38;
	[tilespmem:$0x1B000] =	vst v63  }
0x86: {  	s22 =	sadd.s32 $0xFFFFFF80, s14;
	s21 =	sshll.u32 s25, $0x4;
	_ =	swait.ge [sflag:s8], $0x4000  }
0x87: {  	s22 =	sand.u32 $0x180, s22;
	s24 =	sadd.s32 s3, s24;
	[sflag:s8] =	ssyncset.done $0x0  }
0x88: {  	s18 =	simm.s32 $0x3;
	s21 =	sadd.s32 s21, s24;
	[sflag:s8] =	ssyncadd.s32 $0xFFFFC000  }
0x89: {  	[tilespmem:s19], [sflag:$0x5] =	stream.indirect.gather [hbm4b:s2+s7], $0x80, s9, s7, $0xb8;
	[tilespmem:$0x1B000] =	vst v63  }
0x8a: {  	s6 =	sshll.u32 s6, $0x4;
	s9 =	sor.u32 s5, s22;
	_ =	swait.ge [sflag:s18], $0x4000  }
0x8b: {  	s22 =	sadd.s32 $0xFFFFFFFE, s16;
	s9 =	sshll.u32 s9, $0x4;
	[sflag:s18] =	ssyncset.done $0x0  }
0x8c: {  	s9 =	sadd.s32 s9, s20;
	s20 =	sshll.u32 s22, $0x7;
	[sflag:s18] =	ssyncadd.s32 $0xFFFFC000  }
0x8d: {  	s24 =	sadd.s32 $0xFFFFF800, s10;
	s22 =	sshll.u32 s22, $0x5;
	s20 =	sand.u32 $0x1F000, s20  }
0x8e: {  	s25 =	sadd.s32 s3, s6;
	s24 =	sand.u32 $0xC00, s24;
	s22 =	sand.u32 $0x380, s22  }
0x8f: {  	s6 =	simm.s32 $0x6;
	s20 =	sor.u32 s24, s20;
	s24 =	sshll.u32 s17, $0x10  }
0x90: {  	[hbm4b:s9+s4] =	stream.linear.scatter [tilespmem:s31], [sflag:$0x8], $0x4000, $0x38;
	[tilespmem:$0x1B000] =	vst v63  }
0x91: {  	s9 =	sor.u32 s22, s20;
	_ =	swait.ge [sflag:s6], $0x4000  }
0x92: {  	s18 =	simm.s32 $0x4;
	[sflag:s6] =	ssyncset.done $0x0  }
0x93: {  	s22 =	simm.s32 $0x7000;
	[sflag:s6] =	ssyncadd.s32 $0xFFFFC000;
	s6 =	sshll.u32 s16, $0x5  }
0x94: {  	[tilespmem:s29], [sflag:$0x1] =	stream.indirect.gather [hbm4b:s2+s7], $0x80, s9, s7, $0xb8;
	[tilespmem:$0x1B000] =	vst v63  }
0x95: {  	s17 =	sadd.s32 $0xFFFFFC00, s10;
	s9 =	sadd.s32 $0xFFFFFFFF, s16;
	_ =	swait.ge [sflag:s18], $0x4000  }
0x96: {  	s20 =	sshll.u32 s9, $0x7;
	s9 =	sshll.u32 s9, $0x5;
	[sflag:s18] =	ssyncset.done $0x0  }
0x97: {  	s17 =	sand.u32 $0xC00, s17;
	s20 =	sand.u32 $0x1F000, s20;
	[sflag:s18] =	ssyncadd.s32 $0xFFFFC000  }
0x98: {  	[hbm4b:s21+s4] =	stream.linear.scatter [tilespmem:s1], [sflag:$0x9], $0x4000, $0x38;
	[tilespmem:$0x1B000] =	vst v63  }
0x99: {  	s9 =	sand.u32 $0x380, s9;
	s17 =	sor.u32 s17, s20;
	s1 =	simm.s32 $0x7  }
0x9a: {  	s16 =	sshll.u32 s16, $0x7;
	s9 =	sor.u32 s9, s17;
	_ =	swait.ge [sflag:s1], $0x4000  }
.Ltmp0:
0x9b: {  	s17 =	sand.u32 $0xC00, s10;
	[sflag:s1] =	ssyncset.done $0x0;
	(pc) =	sbr.rel @p0 .LBB2_2-.Ltmp0, $4  }
0x9c: {  	s20 =	sand.u32 $0xFFFC0000, s24;
	s21 =	simm.s32 $0xB000;
	[sflag:s1] =	ssyncadd.s32 $0xFFFFC000  }
0x9d: {  	[tilespmem:s28], [sflag:$0x2] =	stream.indirect.gather [hbm4b:s2+s7], $0x80, s9, s7, $0xb8;
	[tilespmem:$0x1B000] =	vst v63  }
0x9e: {  	s9 =	sadd.s32 s20, s25;
	s20 =	sand.u32 $0x1F000, s16;
	_ =	swait.ge [sflag:s26], $0x4000  }
0x9f: {  	s15 =	sadd.s32 $0x80, s15;
	s14 =	sadd.s32 $0x280, s14;
	[sflag:s26] =	ssyncset.done $0x0  }
0xa0: {  	[sflag:s26] =	ssyncadd.s32 $0xFFFFC000;
	s10 =	simm.s32 $0x17000  }
0xa1: {  	[hbm4b:s9+s4] =	stream.linear.scatter [tilespmem:s10], [sflag:$0xA], $0x4000, $0x38;
	[tilespmem:$0x1B000] =	vst v63  }
0xa2: {  	s11 =	sor.u32 s17, s20;
	_ =	swait.ge [sflag:s0], $0x4000  }
0xa3: {  	s6 =	sand.u32 $0x380, s6;
	s12 =	simm.s32 $0xF000;
	[sflag:s0] =	ssyncset.done $0x0  }
0xa4: {  	s13 =	simm.s32 $0x1;
	s6 =	sor.u32 s6, s11;
	[sflag:s0] =	ssyncadd.s32 $0xFFFFC000  }
0xa5: {  	[tilespmem:s12], [sflag:$0x3] =	stream.indirect.gather [hbm4b:s2+s7], $0x80, s6, s7, $0xb8;
	[tilespmem:$0x1B000] =	vst v63  }
0xa6: {  	_ =	swait.ge [sflag:s13], $0x4000  }
0xa7: {  	[sflag:s13] =	ssyncset.done $0x0  }
0xa8: {  	s14 =	rddreg [dreg:$0x9];
	[sflag:s13] =	ssyncadd.s32 $0xFFFFC000  }
0xa9: {  	[hbm4b:s14+s4] =	stream.linear.scatter [tilespmem:s22], [sflag:$0x6], $0x4000, $0x38;
	[tilespmem:$0x1B000] =	vst v63  }
0xaa: {  	_ =	swait.ge [sflag:s23], $0x4000  }
0xab: {  	s1 =	simm.s32 $0x13000;
	[sflag:s23] =	ssyncset.done $0x0  }
0xac: {  	s15 =	simm.s32 $0x6880;
	s16 =	simm.s32 $0x2;
	[sflag:s23] =	ssyncadd.s32 $0xFFFFC000  }
0xad: {  	[tilespmem:s1], [sflag:$0x4] =	stream.indirect.gather [hbm4b:s2+s7], $0x80, s15, s7, $0xb8;
	[tilespmem:$0x1B000] =	vst v63  }
0xae: {  	_ =	swait.ge [sflag:s16], $0x4000  }
0xaf: {  	[sflag:s16] =	ssyncset.done $0x0  }
0xb0: {  	s17 =	rddreg [dreg:$0xb];
	[sflag:s16] =	ssyncadd.s32 $0xFFFFC000  }
0xb1: {  	[hbm4b:s17+s4] =	stream.linear.scatter [tilespmem:s21], [sflag:$0x7], $0x4000, $0x38;
	[tilespmem:$0x1B000] =	vst v63  }
0xb2: {  	_ =	swait.ge [sflag:s8], $0x4000  }
0xb3: {  	[sflag:s8] =	ssyncset.done $0x0  }
0xb4: {  	s18 =	simm.s32 $0x6C80;
	s19 =	simm.s32 $0x3;
	[sflag:s8] =	ssyncadd.s32 $0xFFFFC000  }
0xb5: {  	[tilespmem:s10], [sflag:$0x5] =	stream.indirect.gather [hbm4b:s2+s7], $0x80, s18, s7, $0xb8;
	[tilespmem:$0x1B000] =	vst v63  }
0xb6: {  	_ =	swait.ge [sflag:s19], $0x4000  }
0xb7: {  	[sflag:s19] =	ssyncset.done $0x0  }
0xb8: {  	s21 =	simm.s32 $0x4;
	s20 =	rddreg [dreg:$0xc];
	[sflag:s19] =	ssyncadd.s32 $0xFFFFC000  }
0xb9: {  	[hbm4b:s20+s4] =	stream.linear.scatter [tilespmem:s12], [sflag:$0x8], $0x4000, $0x38;
	[tilespmem:$0x1B000] =	vst v63  }
0xba: {  	_ =	swait.ge [sflag:s21], $0x4000  }
0xbb: {  	[sflag:s21] =	ssyncset.done $0x0  }
0xbc: {  	s22 =	rddreg [dreg:$0xd];
	[sflag:s21] =	ssyncadd.s32 $0xFFFFC000  }
0xbd: {  	[hbm4b:s22+s4] =	stream.linear.scatter [tilespmem:s1], [sflag:$0x9], $0x4000, $0x38;
	[tilespmem:$0x1B000] =	vst v63  }
0xbe: {  	_ =	swait.ge [sflag:s26], $0x4000  }
0xbf: {  	[sflag:s26] =	ssyncset.done $0x0  }
0xc0: {  	s25 =	simm.s32 $0x6;
	s24 =	rddreg [dreg:$0xe];
	[sflag:s26] =	ssyncadd.s32 $0xFFFFC000  }
0xc1: {  	[hbm4b:s24+s4] =	stream.linear.scatter [tilespmem:s10], [sflag:$0xA], $0x4000, $0x38;
	[tilespmem:$0x1B000] =	vst v63  }
0xc2: {  	_ =	swait.ge [sflag:s25], $0x4000  }
0xc3: {  	[sflag:s25] =	ssyncset.done $0x0  }
0xc4: {  	s28 =	simm.s32 $0x7;
	[sflag:s25] =	ssyncadd.s32 $0xFFFFC000  }
0xc5: {  	_ =	swait.ge [sflag:s28], $0x4000  }
0xc6: {  	[sflag:s28] =	ssyncset.done $0x0  }
0xc7: {  	[sflag:s28] =	ssyncadd.s32 $0xFFFFC000  }
0xc8: {  	_ =	swait.ge [sflag:s0], $0x4000  }
0xc9: {  	[sflag:s0] =	ssyncset.done $0x0  }
0xca: {  	[sflag:s0] =	ssyncadd.s32 $0xFFFFC000  }
0xcb: {  	_ =	swait.ge [sflag:s23], $0x4000  }
0xcc: {  	[sflag:s23] =	ssyncset.done $0x0  }
0xcd: {  	[sflag:s23] =	ssyncadd.s32 $0xFFFFC000  }
0xce: {  	_ =	swait.ge [sflag:s8], $0x4000  }
0xcf: {  	s29 =	rddreg [dreg:$0x10]  }
0xd0: {  	s30 =	rddreg [dreg:$0xf];
	s1 =	sadd.s32 $0x1, s29  }
0xd1: {  	p0 =	sne.s32 s1, s30  }
.Ltmp1:
0xd2: {  	_ = 	snop;
	(pc) =	sbr.rel @p0 .LBB2_1-.Ltmp1, $3  }
0xd3: {  	_ =	sdelay $0x1  }
0xd4: {  	[sflag:s8] =	ssyncset.done $0x0  }
0xd5: {  	[sflag:s8] =	ssyncadd.s32 $0xFFFFC000  }
0xd6: {  	_ =	sfence.sel $0x180000  }
0xd7: {  	[bflag:$0x0] =	sbarrier.arrive $0xFFFF  }
0xd8: {  	_ =	strace $0x90000047  }
0xd9: {  	s0 =	stileid.u32;
	[bflag:$0x2] =	sbarrier.arrive $0xFFFF  }
0xda: {  	p0 =	sne.s32 s0, $0x0;
	s0 =	rddreg [dreg:$0x3]  }
0xdb: {  	s0 =	sadd.s32 @!p0 $0x100000, s0  }
0xdc: {  	[sflag:s0] =	ssyncadd.tile.s32 @!p0 $0x1;
	_ =	shalt  }
.Lfunc_end2:
_tile_overlayer_lowered:
.L_overlay_start_2:
0xdd: {  	(tag) =	ssettag $0x2  }
0xde: {  	s0 =	rddreg [dreg:$0x0];
	s2 =	stileid.u32  }
0xdf: {  	s1 =	rddreg [dreg:$0x1];
	p0 =	sne.s32 s2, $0x0  }
0xe0: {  	s3 =	rddreg [dreg:$0x2];
	[bflag:$0x3] =	sbarrier.arrive $0xFFFF;
	s2 =	simm.s32 @!p0 $0x1C0B  }
0xe1: {  	[timem:s3], [sflag:s2] =	dma.local @!p0 [hbm:s0], s1  }
0xe2: {  	s0 =	simm.s32 @!p0 $0xB  }
0xe3: {  	_ =	swait.ge @!p0 [sflag:s0], s1  }
0xe4: {  	s1 =	ssub.s32 @!p0 $0x0, s1;
	[sflag:s0] =	ssyncset.done @!p0 $0x0  }
0xe5: {  	[sflag:s0] =	ssyncadd.s32 @!p0 s1  }
0xe6: {  	[bflag:$0x3] =	sbarrier.arrive $0xFFFF  }
0xe7: {  	_ =	shalt  }

</sc_bundles>
